<compile_context>
chip_gen: v7x
topology: tpu7x:2x2x1
jax: 0.10.2.dev20260603
libtpu: 0.0.44.dev20260713+nightly
codegen_flags: <defaults>
</compile_context>

<pallas_src>
import functools

import jax
import jax.numpy as jnp
from jax import lax
from jax.experimental import pallas as pl
from jax.experimental.pallas import tpu as pltpu
from jax.experimental.pallas import tpu_sc as plsc

NC, NS = 2, 16
NW = NC * NS
GCHUNK = 64


def _make_sc_row_gather(V, D, Bn):
    assert Bn % (NW * GCHUNK) == 0 and D % 16 == 0
    rpt = Bn // NW
    C = rpt // GCHUNK
    mesh = plsc.VectorSubcoreMesh(core_axis_name="c", subcore_axis_name="s")

    @functools.partial(
        pl.kernel,
        mesh=mesh,
        out_type=jax.ShapeDtypeStruct((Bn, D), jnp.float32),
        scratch_types=[
            pltpu.VMEM((C, GCHUNK), jnp.int32),
            pltpu.VMEM((GCHUNK, D), jnp.float32),
            pltpu.SemaphoreType.DMA,
        ],
    )
    def gather_kernel(table_hbm, ids_hbm, out_hbm, idx_v, rows_v, sem):
        wid = lax.axis_index("s") * NC + lax.axis_index("c")
        pltpu.sync_copy(ids_hbm.at[wid], idx_v)
        base = wid * rpt
        for c in range(C):
            pltpu.async_copy(table_hbm.at[idx_v.at[c]], rows_v, sem).wait()
            pltpu.sync_copy(rows_v, out_hbm.at[pl.ds(base + c * GCHUNK, GCHUNK)])

    return gather_kernel


def _ffn_body(bexp_ref, nact_ref, x_ref, w1_ref, b1_ref, w2_ref, b2_ref, o_ref,
              *, hblk):
    b = pl.program_id(0)
    k = pl.program_id(1)

    @pl.when(b < nact_ref[0])
    def _():
        xb = x_ref[...]
        w1 = w1_ref[0]
        h = lax.dot_general(xb, w1, (((1,), (1,)), ((), ())),
                            preferred_element_type=jnp.float32)
        h = jnp.maximum(h + b1_ref[0, 0, pl.ds(k * hblk, hblk)], 0.0)
        w2 = w2_ref[0]
        y = lax.dot_general(h, w2, (((1,), (1,)), ((), ())),
                            preferred_element_type=jnp.float32)

        @pl.when(k == 0)
        def _():
            o_ref[...] = y + b2_ref[0, 0]

        @pl.when(k > 0)
        def _():
            o_ref[...] += y


def kernel(x, gate_W, gate_b, W1, b1, W2, b2):
    Bn, Sn, D = x.shape
    E, H, _ = W1.shape
    T = Bn * Sn
    BLK = 256
    HBLK = 512
    assert T % BLK == 0 and H % HBLK == 0
    NB = T // BLK + E
    P = NB * BLK
    K = H // HBLK

    x_flat = x.reshape(-1, D)

    gate_logits = x_flat @ gate_W.T + gate_b
    top1 = jnp.argmax(gate_logits, axis=-1)

    oh = (top1[:, None] == jnp.arange(E)[None, :]).astype(jnp.int32)
    ranks = jnp.take_along_axis(jnp.cumsum(oh, axis=0), top1[:, None], axis=1)[:, 0] - 1
    counts = jnp.sum(oh, axis=0)
    padded = ((counts + BLK - 1) // BLK) * BLK
    pad_end = jnp.cumsum(padded)
    total = pad_end[-1]
    pad_start = pad_end - padded
    dest = (pad_start[top1] + ranks).astype(jnp.int32)
    row_ids = jnp.zeros((P,), jnp.int32).at[dest].set(
        jnp.arange(T, dtype=jnp.int32))
    pos = jnp.arange(NB, dtype=jnp.int32) * BLK
    bexp = jnp.searchsorted(pad_end, jnp.minimum(pos, total - 1),
                            side="right").astype(jnp.int32)
    nact = (total // BLK).astype(jnp.int32).reshape(1)

    g1 = _make_sc_row_gather(T, D, P)
    x_sorted = g1(x_flat, row_ids.reshape(NW, P // NW // GCHUNK, GCHUNK))

    grid_spec = pltpu.PrefetchScalarGridSpec(
        num_scalar_prefetch=2,
        grid=(NB, K),
        in_specs=[
            pl.BlockSpec((BLK, D), lambda b, k, be, na: (b, 0)),
            pl.BlockSpec((1, HBLK, D), lambda b, k, be, na: (be[b], k, 0)),
            pl.BlockSpec((1, 1, H), lambda b, k, be, na: (be[b], 0, 0)),
            pl.BlockSpec((1, D, HBLK), lambda b, k, be, na: (be[b], 0, k)),
            pl.BlockSpec((1, 1, D), lambda b, k, be, na: (be[b], 0, 0)),
        ],
        out_specs=pl.BlockSpec((BLK, D), lambda b, k, be, na: (b, 0)),
    )
    y_sorted = pl.pallas_call(
        functools.partial(_ffn_body, hblk=HBLK),
        grid_spec=grid_spec,
        out_shape=jax.ShapeDtypeStruct((P, D), jnp.float32),
        compiler_params=pltpu.CompilerParams(
            dimension_semantics=("arbitrary", "arbitrary")),
    )(bexp, nact, x_sorted, W1, b1.reshape(E, 1, H), W2, b2.reshape(E, 1, D))

    g2 = _make_sc_row_gather(P, D, T)
    out_flat = g2(y_sorted, dest.reshape(NW, T // NW // GCHUNK, GCHUNK))
    return out_flat.reshape(Bn, Sn, D)

# --- scband reference (transcript-rebuilt; emitter-appended) ---
"""Pipeline reference for scband-device-aware-mo-elayer-21792664059953 (READ-ONLY COPY).

The authoritative reference and input builder live on the scoring server;
editing this copy changes nothing except your own understanding.
"""

import jax, jax.numpy as jnp
import numpy as np

B, S, D = 2, 2048, 1024
H = 4096
E = 8

def setup_inputs(seed: int = 0) -> dict:
    key = jax.random.key(seed)
    ks = jax.random.split(key, 8)
    x = jax.random.normal(ks[0], (B, S, D), dtype=jnp.float32)
    gate_W = jax.random.normal(ks[1], (E, D), dtype=jnp.float32) * 0.02
    gate_b = jnp.zeros((E,), dtype=jnp.float32)
    W1 = jax.random.normal(ks[2], (E, H, D), dtype=jnp.float32) * 0.02
    b1 = jnp.zeros((E, H), dtype=jnp.float32)
    W2 = jax.random.normal(ks[3], (E, D, H), dtype=jnp.float32) * 0.02
    b2 = jnp.zeros((E, D), dtype=jnp.float32)
    return {"x": x, "gate_W": gate_W, "gate_b": gate_b, "W1": W1, "b1": b1, "W2": W2, "b2": b2}

def reference(x, gate_W, gate_b, W1, b1, W2, b2):
    Bn, Sn, Dn = x.shape
    x_flat = x.reshape(-1, Dn)
    # gate: nn.Linear(input_dim, num_experts)
    gate_logits = x_flat @ gate_W.T + gate_b
    top1 = jnp.argmax(gate_logits, axis=-1)
    output = jnp.zeros_like(x_flat)
    num_experts = W1.shape[0]
    for i in range(num_experts):
        # Expert: Linear(D->H) -> ReLU -> Linear(H->D)
        h = jax.nn.relu(x_flat @ W1[i].T + b1[i])
        y = h @ W2[i].T + b2[i]
        mask = (top1 == i)[:, None]
        output = jnp.where(mask, y, output)
    return output.reshape(Bn, Sn, -1)

if __name__ == "__main__":
    import jax
    _d = setup_inputs()
    print(jax.jit(kernel)(*tuple(_d.values())))

</pallas_src>

<mosaic_0001>
#map = affine_map<(d0, d1) -> (0, 0)>
#map1 = affine_map<(d0, d1) -> (0, 0, 0)>
module attributes {stable_mosaic.version = 14 : i64} {
  func.func @gather_kernel(%arg0: i32, %arg1: i32, %arg2: memref<4096x1024xf32, #tpu.memory_space<hbm>>, %arg3: memref<32x3x64xi32, #tpu.memory_space<hbm>>, %arg4: memref<6144x1024xf32, #tpu.memory_space<hbm>>, %arg5: memref<3x64xi32, #tpu.memory_space<vmem>>, %arg6: memref<64x1024xf32, #tpu.memory_space<vmem>>, %arg7: memref<!tpu.dma_semaphore, #tpu.memory_space<semaphore_mem>>) attributes {dimension_semantics = [#tpu.dimension_semantics<core_parallel>, #tpu.dimension_semantics<subcore_parallel>], iteration_bounds = array<i64: 2, 16>, scalar_prefetch = 0 : i64, scratch_operands = 3 : i64, tpu.core_type = #tpu.core_type<sc_vector_subcore>, window_params = [{transform_indices = #map}, {transform_indices = #map1}, {transform_indices = #map}]} {
    %mul3A = arith.constant 2 : i32
    %mul3A_0 = arith.muli %arg1, %mul3A : i32
    %add3A = arith.addi %mul3A_0, %arg0 : i32
    "tpu.region"() ({
      %run_scoped3A = tpu.sem_alloc : memref<!tpu.dma_semaphore, #tpu.memory_space<semaphore_mem>>
      %dma_start3A_49 = arith.constant 0 : i32
      %dma_start3A_50 = arith.constant 0 : i32
      %dma_start3A_51 = tpu.memref_slice %arg3[%add3A, %dma_start3A_49, %dma_start3A_50] : memref<32x3x64xi32, #tpu.memory_space<hbm>> -> memref<1x3x64xi32, #tpu.memory_space<hbm>>
      %dma_start3A_52 = tpu.memref_squeeze %dma_start3A_51 : memref<1x3x64xi32, #tpu.memory_space<hbm>> -> memref<3x64xi32, #tpu.memory_space<hbm>>
      %dma_start3A_53 = arith.constant 0 : i32
      %dma_start3A_54 = arith.constant 0 : i32
      %dma_start3A_55 = tpu.memref_slice %arg3[%add3A, %dma_start3A_53, %dma_start3A_54] : memref<32x3x64xi32, #tpu.memory_space<hbm>> -> memref<1x3x64xi32, #tpu.memory_space<hbm>>
      %dma_start3A_56 = tpu.memref_squeeze %dma_start3A_55 : memref<1x3x64xi32, #tpu.memory_space<hbm>> -> memref<3x64xi32, #tpu.memory_space<hbm>>
      tpu.enqueue_dma source(%dma_start3A_56 : memref<3x64xi32, #tpu.memory_space<hbm>>) target(%arg5 : memref<3x64xi32, #tpu.memory_space<vmem>>) target_semaphore(%run_scoped3A : memref<!tpu.dma_semaphore, #tpu.memory_space<semaphore_mem>>)
      %dma_wait3A_57 = arith.constant 0 : i32
      %dma_wait3A_58 = arith.constant 0 : i32
      %dma_wait3A_59 = tpu.memref_slice %arg3[%add3A, %dma_wait3A_57, %dma_wait3A_58] : memref<32x3x64xi32, #tpu.memory_space<hbm>> -> memref<1x3x64xi32, #tpu.memory_space<hbm>>
      %dma_wait3A_60 = tpu.memref_squeeze %dma_wait3A_59 : memref<1x3x64xi32, #tpu.memory_space<hbm>> -> memref<3x64xi32, #tpu.memory_space<hbm>>
      %dma_wait3A_61 = arith.constant 0 : i32
      %dma_wait3A_62 = arith.constant 0 : i32
      %dma_wait3A_63 = tpu.memref_slice %arg3[%add3A, %dma_wait3A_61, %dma_wait3A_62] : memref<32x3x64xi32, #tpu.memory_space<hbm>> -> memref<1x3x64xi32, #tpu.memory_space<hbm>>
      %dma_wait3A_64 = tpu.memref_squeeze %dma_wait3A_63 : memref<1x3x64xi32, #tpu.memory_space<hbm>> -> memref<3x64xi32, #tpu.memory_space<hbm>>
      tpu.wait_dma2 semaphore(%run_scoped3A : memref<!tpu.dma_semaphore, #tpu.memory_space<semaphore_mem>>) src(%dma_wait3A_64 : memref<3x64xi32, #tpu.memory_space<hbm>>) dst(%arg5 : memref<3x64xi32, #tpu.memory_space<vmem>>)
      tpu.yield
    }) : () -> ()
    %mul3A_1 = arith.constant 192 : i32
    %mul3A_2 = arith.muli %add3A, %mul3A_1 : i32
    %dma_start3A = arith.constant 0 : i32
    %dma_start3A_3 = arith.constant 0 : i32
    %dma_start3A_4 = tpu.memref_slice %arg5[%dma_start3A, %dma_start3A_3] : memref<3x64xi32, #tpu.memory_space<vmem>> -> memref<1x64xi32, #tpu.memory_space<vmem>>
    %dma_start3A_5 = tpu.memref_squeeze %dma_start3A_4 : memref<1x64xi32, #tpu.memory_space<vmem>> -> memref<64xi32, #tpu.memory_space<vmem>>
    %dma_start3A_6 = arith.constant 0 : i32
    %dma_start3A_7 = arith.constant 0 : i32
    %dma_start3A_8 = tpu.memref_slice %arg2[%dma_start3A_6, %dma_start3A_7] : memref<4096x1024xf32, #tpu.memory_space<hbm>> -> memref<4096x1024xf32, #tpu.memory_space<hbm>>
    tpu.enqueue_indirect_dma source(%dma_start3A_8 : memref<4096x1024xf32, #tpu.memory_space<hbm>>) target(%arg6 : memref<64x1024xf32, #tpu.memory_space<vmem>>) offsets(%dma_start3A_5 : memref<64xi32, #tpu.memory_space<vmem>>) semaphore(%arg7 : memref<!tpu.dma_semaphore, #tpu.memory_space<semaphore_mem>>)
    %dma_wait3A = arith.constant 0 : i32
    %dma_wait3A_9 = arith.constant 0 : i32
    %dma_wait3A_10 = tpu.memref_slice %arg5[%dma_wait3A, %dma_wait3A_9] : memref<3x64xi32, #tpu.memory_space<vmem>> -> memref<1x64xi32, #tpu.memory_space<vmem>>
    %dma_wait3A_11 = tpu.memref_squeeze %dma_wait3A_10 : memref<1x64xi32, #tpu.memory_space<vmem>> -> memref<64xi32, #tpu.memory_space<vmem>>
    %dma_wait3A_12 = arith.constant 0 : i32
    %dma_wait3A_13 = arith.constant 0 : i32
    %dma_wait3A_14 = tpu.memref_slice %arg2[%dma_wait3A_12, %dma_wait3A_13] : memref<4096x1024xf32, #tpu.memory_space<hbm>> -> memref<4096x1024xf32, #tpu.memory_space<hbm>>
    tpu.wait_indirect_dma semaphore(%arg7 : memref<!tpu.dma_semaphore, #tpu.memory_space<semaphore_mem>>) src(%dma_wait3A_14 : memref<4096x1024xf32, #tpu.memory_space<hbm>>) dst(%arg6 : memref<64x1024xf32, #tpu.memory_space<vmem>>)
    %add3A_15 = arith.constant 0 : i32
    %add3A_16 = arith.addi %mul3A_2, %add3A_15 : i32
    "tpu.region"() ({
      %run_scoped3A = tpu.sem_alloc : memref<!tpu.dma_semaphore, #tpu.memory_space<semaphore_mem>>
      %dma_start3A_49 = arith.constant 0 : i32
      %dma_start3A_50 = tpu.memref_slice %arg4[%add3A_16, %dma_start3A_49] : memref<6144x1024xf32, #tpu.memory_space<hbm>> -> memref<64x1024xf32, #tpu.memory_space<hbm>>
      %dma_start3A_51 = arith.constant 0 : i32
      %dma_start3A_52 = tpu.memref_slice %arg4[%add3A_16, %dma_start3A_51] : memref<6144x1024xf32, #tpu.memory_space<hbm>> -> memref<64x1024xf32, #tpu.memory_space<hbm>>
      tpu.enqueue_dma source(%arg6 : memref<64x1024xf32, #tpu.memory_space<vmem>>) target(%dma_start3A_52 : memref<64x1024xf32, #tpu.memory_space<hbm>>) target_semaphore(%run_scoped3A : memref<!tpu.dma_semaphore, #tpu.memory_space<semaphore_mem>>)
      %dma_wait3A_53 = arith.constant 0 : i32
      %dma_wait3A_54 = tpu.memref_slice %arg4[%add3A_16, %dma_wait3A_53] : memref<6144x1024xf32, #tpu.memory_space<hbm>> -> memref<64x1024xf32, #tpu.memory_space<hbm>>
      %dma_wait3A_55 = arith.constant 0 : i32
      %dma_wait3A_56 = tpu.memref_slice %arg4[%add3A_16, %dma_wait3A_55] : memref<6144x1024xf32, #tpu.memory_space<hbm>> -> memref<64x1024xf32, #tpu.memory_space<hbm>>
      tpu.wait_dma2 semaphore(%run_scoped3A : memref<!tpu.dma_semaphore, #tpu.memory_space<semaphore_mem>>) src(%arg6 : memref<64x1024xf32, #tpu.memory_space<vmem>>) dst(%dma_wait3A_56 : memref<64x1024xf32, #tpu.memory_space<hbm>>)
      tpu.yield
    }) : () -> ()
    %dma_start3A_17 = arith.constant 1 : i32
    %dma_start3A_18 = arith.constant 0 : i32
    %dma_start3A_19 = tpu.memref_slice %arg5[%dma_start3A_17, %dma_start3A_18] : memref<3x64xi32, #tpu.memory_space<vmem>> -> memref<1x64xi32, #tpu.memory_space<vmem>>
    %dma_start3A_20 = tpu.memref_squeeze %dma_start3A_19 : memref<1x64xi32, #tpu.memory_space<vmem>> -> memref<64xi32, #tpu.memory_space<vmem>>
    %dma_start3A_21 = arith.constant 0 : i32
    %dma_start3A_22 = arith.constant 0 : i32
    %dma_start3A_23 = tpu.memref_slice %arg2[%dma_start3A_21, %dma_start3A_22] : memref<4096x1024xf32, #tpu.memory_space<hbm>> -> memref<4096x1024xf32, #tpu.memory_space<hbm>>
    tpu.enqueue_indirect_dma source(%dma_start3A_23 : memref<4096x1024xf32, #tpu.memory_space<hbm>>) target(%arg6 : memref<64x1024xf32, #tpu.memory_space<vmem>>) offsets(%dma_start3A_20 : memref<64xi32, #tpu.memory_space<vmem>>) semaphore(%arg7 : memref<!tpu.dma_semaphore, #tpu.memory_space<semaphore_mem>>)
    %dma_wait3A_24 = arith.constant 1 : i32
    %dma_wait3A_25 = arith.constant 0 : i32
    %dma_wait3A_26 = tpu.memref_slice %arg5[%dma_wait3A_24, %dma_wait3A_25] : memref<3x64xi32, #tpu.memory_space<vmem>> -> memref<1x64xi32, #tpu.memory_space<vmem>>
    %dma_wait3A_27 = tpu.memref_squeeze %dma_wait3A_26 : memref<1x64xi32, #tpu.memory_space<vmem>> -> memref<64xi32, #tpu.memory_space<vmem>>
    %dma_wait3A_28 = arith.constant 0 : i32
    %dma_wait3A_29 = arith.constant 0 : i32
    %dma_wait3A_30 = tpu.memref_slice %arg2[%dma_wait3A_28, %dma_wait3A_29] : memref<4096x1024xf32, #tpu.memory_space<hbm>> -> memref<4096x1024xf32, #tpu.memory_space<hbm>>
    tpu.wait_indirect_dma semaphore(%arg7 : memref<!tpu.dma_semaphore, #tpu.memory_space<semaphore_mem>>) src(%dma_wait3A_30 : memref<4096x1024xf32, #tpu.memory_space<hbm>>) dst(%arg6 : memref<64x1024xf32, #tpu.memory_space<vmem>>)
    %add3A_31 = arith.constant 64 : i32
    %add3A_32 = arith.addi %mul3A_2, %add3A_31 : i32
    "tpu.region"() ({
      %run_scoped3A = tpu.sem_alloc : memref<!tpu.dma_semaphore, #tpu.memory_space<semaphore_mem>>
      %dma_start3A_49 = arith.constant 0 : i32
      %dma_start3A_50 = tpu.memref_slice %arg4[%add3A_32, %dma_start3A_49] : memref<6144x1024xf32, #tpu.memory_space<hbm>> -> memref<64x1024xf32, #tpu.memory_space<hbm>>
      %dma_start3A_51 = arith.constant 0 : i32
      %dma_start3A_52 = tpu.memref_slice %arg4[%add3A_32, %dma_start3A_51] : memref<6144x1024xf32, #tpu.memory_space<hbm>> -> memref<64x1024xf32, #tpu.memory_space<hbm>>
      tpu.enqueue_dma source(%arg6 : memref<64x1024xf32, #tpu.memory_space<vmem>>) target(%dma_start3A_52 : memref<64x1024xf32, #tpu.memory_space<hbm>>) target_semaphore(%run_scoped3A : memref<!tpu.dma_semaphore, #tpu.memory_space<semaphore_mem>>)
      %dma_wait3A_53 = arith.constant 0 : i32
      %dma_wait3A_54 = tpu.memref_slice %arg4[%add3A_32, %dma_wait3A_53] : memref<6144x1024xf32, #tpu.memory_space<hbm>> -> memref<64x1024xf32, #tpu.memory_space<hbm>>
      %dma_wait3A_55 = arith.constant 0 : i32
      %dma_wait3A_56 = tpu.memref_slice %arg4[%add3A_32, %dma_wait3A_55] : memref<6144x1024xf32, #tpu.memory_space<hbm>> -> memref<64x1024xf32, #tpu.memory_space<hbm>>
      tpu.wait_dma2 semaphore(%run_scoped3A : memref<!tpu.dma_semaphore, #tpu.memory_space<semaphore_mem>>) src(%arg6 : memref<64x1024xf32, #tpu.memory_space<vmem>>) dst(%dma_wait3A_56 : memref<64x1024xf32, #tpu.memory_space<hbm>>)
      tpu.yield
    }) : () -> ()
    %dma_start3A_33 = arith.constant 2 : i32
    %dma_start3A_34 = arith.constant 0 : i32
    %dma_start3A_35 = tpu.memref_slice %arg5[%dma_start3A_33, %dma_start3A_34] : memref<3x64xi32, #tpu.memory_space<vmem>> -> memref<1x64xi32, #tpu.memory_space<vmem>>
    %dma_start3A_36 = tpu.memref_squeeze %dma_start3A_35 : memref<1x64xi32, #tpu.memory_space<vmem>> -> memref<64xi32, #tpu.memory_space<vmem>>
    %dma_start3A_37 = arith.constant 0 : i32
    %dma_start3A_38 = arith.constant 0 : i32
    %dma_start3A_39 = tpu.memref_slice %arg2[%dma_start3A_37, %dma_start3A_38] : memref<4096x1024xf32, #tpu.memory_space<hbm>> -> memref<4096x1024xf32, #tpu.memory_space<hbm>>
    tpu.enqueue_indirect_dma source(%dma_start3A_39 : memref<4096x1024xf32, #tpu.memory_space<hbm>>) target(%arg6 : memref<64x1024xf32, #tpu.memory_space<vmem>>) offsets(%dma_start3A_36 : memref<64xi32, #tpu.memory_space<vmem>>) semaphore(%arg7 : memref<!tpu.dma_semaphore, #tpu.memory_space<semaphore_mem>>)
    %dma_wait3A_40 = arith.constant 2 : i32
    %dma_wait3A_41 = arith.constant 0 : i32
    %dma_wait3A_42 = tpu.memref_slice %arg5[%dma_wait3A_40, %dma_wait3A_41] : memref<3x64xi32, #tpu.memory_space<vmem>> -> memref<1x64xi32, #tpu.memory_space<vmem>>
    %dma_wait3A_43 = tpu.memref_squeeze %dma_wait3A_42 : memref<1x64xi32, #tpu.memory_space<vmem>> -> memref<64xi32, #tpu.memory_space<vmem>>
    %dma_wait3A_44 = arith.constant 0 : i32
    %dma_wait3A_45 = arith.constant 0 : i32
    %dma_wait3A_46 = tpu.memref_slice %arg2[%dma_wait3A_44, %dma_wait3A_45] : memref<4096x1024xf32, #tpu.memory_space<hbm>> -> memref<4096x1024xf32, #tpu.memory_space<hbm>>
    tpu.wait_indirect_dma semaphore(%arg7 : memref<!tpu.dma_semaphore, #tpu.memory_space<semaphore_mem>>) src(%dma_wait3A_46 : memref<4096x1024xf32, #tpu.memory_space<hbm>>) dst(%arg6 : memref<64x1024xf32, #tpu.memory_space<vmem>>)
    %add3A_47 = arith.constant 128 : i32
    %add3A_48 = arith.addi %mul3A_2, %add3A_47 : i32
    "tpu.region"() ({
      %run_scoped3A = tpu.sem_alloc : memref<!tpu.dma_semaphore, #tpu.memory_space<semaphore_mem>>
      %dma_start3A_49 = arith.constant 0 : i32
      %dma_start3A_50 = tpu.memref_slice %arg4[%add3A_48, %dma_start3A_49] : memref<6144x1024xf32, #tpu.memory_space<hbm>> -> memref<64x1024xf32, #tpu.memory_space<hbm>>
      %dma_start3A_51 = arith.constant 0 : i32
      %dma_start3A_52 = tpu.memref_slice %arg4[%add3A_48, %dma_start3A_51] : memref<6144x1024xf32, #tpu.memory_space<hbm>> -> memref<64x1024xf32, #tpu.memory_space<hbm>>
      tpu.enqueue_dma source(%arg6 : memref<64x1024xf32, #tpu.memory_space<vmem>>) target(%dma_start3A_52 : memref<64x1024xf32, #tpu.memory_space<hbm>>) target_semaphore(%run_scoped3A : memref<!tpu.dma_semaphore, #tpu.memory_space<semaphore_mem>>)
      %dma_wait3A_53 = arith.constant 0 : i32
      %dma_wait3A_54 = tpu.memref_slice %arg4[%add3A_48, %dma_wait3A_53] : memref<6144x1024xf32, #tpu.memory_space<hbm>> -> memref<64x1024xf32, #tpu.memory_space<hbm>>
      %dma_wait3A_55 = arith.constant 0 : i32
      %dma_wait3A_56 = tpu.memref_slice %arg4[%add3A_48, %dma_wait3A_55] : memref<6144x1024xf32, #tpu.memory_space<hbm>> -> memref<64x1024xf32, #tpu.memory_space<hbm>>
      tpu.wait_dma2 semaphore(%run_scoped3A : memref<!tpu.dma_semaphore, #tpu.memory_space<semaphore_mem>>) src(%arg6 : memref<64x1024xf32, #tpu.memory_space<vmem>>) dst(%dma_wait3A_56 : memref<64x1024xf32, #tpu.memory_space<hbm>>)
      tpu.yield
    }) : () -> ()
    return
  }
}

#map = affine_map<(d0, d1) -> (0, 0)>
#map1 = affine_map<(d0, d1) -> (0, 0, 0)>
module attributes {stable_mosaic.version = 14 : i64} {
  func.func @gather_kernel(%arg0: i32, %arg1: i32, %arg2: memref<6144x1024xf32, #tpu.memory_space<hbm>>, %arg3: memref<32x2x64xi32, #tpu.memory_space<hbm>>, %arg4: memref<4096x1024xf32, #tpu.memory_space<hbm>>, %arg5: memref<2x64xi32, #tpu.memory_space<vmem>>, %arg6: memref<64x1024xf32, #tpu.memory_space<vmem>>, %arg7: memref<!tpu.dma_semaphore, #tpu.memory_space<semaphore_mem>>) attributes {dimension_semantics = [#tpu.dimension_semantics<core_parallel>, #tpu.dimension_semantics<subcore_parallel>], iteration_bounds = array<i64: 2, 16>, scalar_prefetch = 0 : i64, scratch_operands = 3 : i64, tpu.core_type = #tpu.core_type<sc_vector_subcore>, window_params = [{transform_indices = #map}, {transform_indices = #map1}, {transform_indices = #map}]} {
    %mul3A = arith.constant 2 : i32
    %mul3A_0 = arith.muli %arg1, %mul3A : i32
    %add3A = arith.addi %mul3A_0, %arg0 : i32
    "tpu.region"() ({
      %run_scoped3A = tpu.sem_alloc : memref<!tpu.dma_semaphore, #tpu.memory_space<semaphore_mem>>
      %dma_start3A_33 = arith.constant 0 : i32
      %dma_start3A_34 = arith.constant 0 : i32
      %dma_start3A_35 = tpu.memref_slice %arg3[%add3A, %dma_start3A_33, %dma_start3A_34] : memref<32x2x64xi32, #tpu.memory_space<hbm>> -> memref<1x2x64xi32, #tpu.memory_space<hbm>>
      %dma_start3A_36 = tpu.memref_squeeze %dma_start3A_35 : memref<1x2x64xi32, #tpu.memory_space<hbm>> -> memref<2x64xi32, #tpu.memory_space<hbm>>
      %dma_start3A_37 = arith.constant 0 : i32
      %dma_start3A_38 = arith.constant 0 : i32
      %dma_start3A_39 = tpu.memref_slice %arg3[%add3A, %dma_start3A_37, %dma_start3A_38] : memref<32x2x64xi32, #tpu.memory_space<hbm>> -> memref<1x2x64xi32, #tpu.memory_space<hbm>>
      %dma_start3A_40 = tpu.memref_squeeze %dma_start3A_39 : memref<1x2x64xi32, #tpu.memory_space<hbm>> -> memref<2x64xi32, #tpu.memory_space<hbm>>
      tpu.enqueue_dma source(%dma_start3A_40 : memref<2x64xi32, #tpu.memory_space<hbm>>) target(%arg5 : memref<2x64xi32, #tpu.memory_space<vmem>>) target_semaphore(%run_scoped3A : memref<!tpu.dma_semaphore, #tpu.memory_space<semaphore_mem>>)
      %dma_wait3A_41 = arith.constant 0 : i32
      %dma_wait3A_42 = arith.constant 0 : i32
      %dma_wait3A_43 = tpu.memref_slice %arg3[%add3A, %dma_wait3A_41, %dma_wait3A_42] : memref<32x2x64xi32, #tpu.memory_space<hbm>> -> memref<1x2x64xi32, #tpu.memory_space<hbm>>
      %dma_wait3A_44 = tpu.memref_squeeze %dma_wait3A_43 : memref<1x2x64xi32, #tpu.memory_space<hbm>> -> memref<2x64xi32, #tpu.memory_space<hbm>>
      %dma_wait3A_45 = arith.constant 0 : i32
      %dma_wait3A_46 = arith.constant 0 : i32
      %dma_wait3A_47 = tpu.memref_slice %arg3[%add3A, %dma_wait3A_45, %dma_wait3A_46] : memref<32x2x64xi32, #tpu.memory_space<hbm>> -> memref<1x2x64xi32, #tpu.memory_space<hbm>>
      %dma_wait3A_48 = tpu.memref_squeeze %dma_wait3A_47 : memref<1x2x64xi32, #tpu.memory_space<hbm>> -> memref<2x64xi32, #tpu.memory_space<hbm>>
      tpu.wait_dma2 semaphore(%run_scoped3A : memref<!tpu.dma_semaphore, #tpu.memory_space<semaphore_mem>>) src(%dma_wait3A_48 : memref<2x64xi32, #tpu.memory_space<hbm>>) dst(%arg5 : memref<2x64xi32, #tpu.memory_space<vmem>>)
      tpu.yield
    }) : () -> ()
    %mul3A_1 = arith.constant 128 : i32
    %mul3A_2 = arith.muli %add3A, %mul3A_1 : i32
    %dma_start3A = arith.constant 0 : i32
    %dma_start3A_3 = arith.constant 0 : i32
    %dma_start3A_4 = tpu.memref_slice %arg5[%dma_start3A, %dma_start3A_3] : memref<2x64xi32, #tpu.memory_space<vmem>> -> memref<1x64xi32, #tpu.memory_space<vmem>>
    %dma_start3A_5 = tpu.memref_squeeze %dma_start3A_4 : memref<1x64xi32, #tpu.memory_space<vmem>> -> memref<64xi32, #tpu.memory_space<vmem>>
    %dma_start3A_6 = arith.constant 0 : i32
    %dma_start3A_7 = arith.constant 0 : i32
    %dma_start3A_8 = tpu.memref_slice %arg2[%dma_start3A_6, %dma_start3A_7] : memref<6144x1024xf32, #tpu.memory_space<hbm>> -> memref<6144x1024xf32, #tpu.memory_space<hbm>>
    tpu.enqueue_indirect_dma source(%dma_start3A_8 : memref<6144x1024xf32, #tpu.memory_space<hbm>>) target(%arg6 : memref<64x1024xf32, #tpu.memory_space<vmem>>) offsets(%dma_start3A_5 : memref<64xi32, #tpu.memory_space<vmem>>) semaphore(%arg7 : memref<!tpu.dma_semaphore, #tpu.memory_space<semaphore_mem>>)
    %dma_wait3A = arith.constant 0 : i32
    %dma_wait3A_9 = arith.constant 0 : i32
    %dma_wait3A_10 = tpu.memref_slice %arg5[%dma_wait3A, %dma_wait3A_9] : memref<2x64xi32, #tpu.memory_space<vmem>> -> memref<1x64xi32, #tpu.memory_space<vmem>>
    %dma_wait3A_11 = tpu.memref_squeeze %dma_wait3A_10 : memref<1x64xi32, #tpu.memory_space<vmem>> -> memref<64xi32, #tpu.memory_space<vmem>>
    %dma_wait3A_12 = arith.constant 0 : i32
    %dma_wait3A_13 = arith.constant 0 : i32
    %dma_wait3A_14 = tpu.memref_slice %arg2[%dma_wait3A_12, %dma_wait3A_13] : memref<6144x1024xf32, #tpu.memory_space<hbm>> -> memref<6144x1024xf32, #tpu.memory_space<hbm>>
    tpu.wait_indirect_dma semaphore(%arg7 : memref<!tpu.dma_semaphore, #tpu.memory_space<semaphore_mem>>) src(%dma_wait3A_14 : memref<6144x1024xf32, #tpu.memory_space<hbm>>) dst(%arg6 : memref<64x1024xf32, #tpu.memory_space<vmem>>)
    %add3A_15 = arith.constant 0 : i32
    %add3A_16 = arith.addi %mul3A_2, %add3A_15 : i32
    "tpu.region"() ({
      %run_scoped3A = tpu.sem_alloc : memref<!tpu.dma_semaphore, #tpu.memory_space<semaphore_mem>>
      %dma_start3A_33 = arith.constant 0 : i32
      %dma_start3A_34 = tpu.memref_slice %arg4[%add3A_16, %dma_start3A_33] : memref<4096x1024xf32, #tpu.memory_space<hbm>> -> memref<64x1024xf32, #tpu.memory_space<hbm>>
      %dma_start3A_35 = arith.constant 0 : i32
      %dma_start3A_36 = tpu.memref_slice %arg4[%add3A_16, %dma_start3A_35] : memref<4096x1024xf32, #tpu.memory_space<hbm>> -> memref<64x1024xf32, #tpu.memory_space<hbm>>
      tpu.enqueue_dma source(%arg6 : memref<64x1024xf32, #tpu.memory_space<vmem>>) target(%dma_start3A_36 : memref<64x1024xf32, #tpu.memory_space<hbm>>) target_semaphore(%run_scoped3A : memref<!tpu.dma_semaphore, #tpu.memory_space<semaphore_mem>>)
      %dma_wait3A_37 = arith.constant 0 : i32
      %dma_wait3A_38 = tpu.memref_slice %arg4[%add3A_16, %dma_wait3A_37] : memref<4096x1024xf32, #tpu.memory_space<hbm>> -> memref<64x1024xf32, #tpu.memory_space<hbm>>
      %dma_wait3A_39 = arith.constant 0 : i32
      %dma_wait3A_40 = tpu.memref_slice %arg4[%add3A_16, %dma_wait3A_39] : memref<4096x1024xf32, #tpu.memory_space<hbm>> -> memref<64x1024xf32, #tpu.memory_space<hbm>>
      tpu.wait_dma2 semaphore(%run_scoped3A : memref<!tpu.dma_semaphore, #tpu.memory_space<semaphore_mem>>) src(%arg6 : memref<64x1024xf32, #tpu.memory_space<vmem>>) dst(%dma_wait3A_40 : memref<64x1024xf32, #tpu.memory_space<hbm>>)
      tpu.yield
    }) : () -> ()
    %dma_start3A_17 = arith.constant 1 : i32
    %dma_start3A_18 = arith.constant 0 : i32
    %dma_start3A_19 = tpu.memref_slice %arg5[%dma_start3A_17, %dma_start3A_18] : memref<2x64xi32, #tpu.memory_space<vmem>> -> memref<1x64xi32, #tpu.memory_space<vmem>>
    %dma_start3A_20 = tpu.memref_squeeze %dma_start3A_19 : memref<1x64xi32, #tpu.memory_space<vmem>> -> memref<64xi32, #tpu.memory_space<vmem>>
    %dma_start3A_21 = arith.constant 0 : i32
    %dma_start3A_22 = arith.constant 0 : i32
    %dma_start3A_23 = tpu.memref_slice %arg2[%dma_start3A_21, %dma_start3A_22] : memref<6144x1024xf32, #tpu.memory_space<hbm>> -> memref<6144x1024xf32, #tpu.memory_space<hbm>>
    tpu.enqueue_indirect_dma source(%dma_start3A_23 : memref<6144x1024xf32, #tpu.memory_space<hbm>>) target(%arg6 : memref<64x1024xf32, #tpu.memory_space<vmem>>) offsets(%dma_start3A_20 : memref<64xi32, #tpu.memory_space<vmem>>) semaphore(%arg7 : memref<!tpu.dma_semaphore, #tpu.memory_space<semaphore_mem>>)
    %dma_wait3A_24 = arith.constant 1 : i32
    %dma_wait3A_25 = arith.constant 0 : i32
    %dma_wait3A_26 = tpu.memref_slice %arg5[%dma_wait3A_24, %dma_wait3A_25] : memref<2x64xi32, #tpu.memory_space<vmem>> -> memref<1x64xi32, #tpu.memory_space<vmem>>
    %dma_wait3A_27 = tpu.memref_squeeze %dma_wait3A_26 : memref<1x64xi32, #tpu.memory_space<vmem>> -> memref<64xi32, #tpu.memory_space<vmem>>
    %dma_wait3A_28 = arith.constant 0 : i32
    %dma_wait3A_29 = arith.constant 0 : i32
    %dma_wait3A_30 = tpu.memref_slice %arg2[%dma_wait3A_28, %dma_wait3A_29] : memref<6144x1024xf32, #tpu.memory_space<hbm>> -> memref<6144x1024xf32, #tpu.memory_space<hbm>>
    tpu.wait_indirect_dma semaphore(%arg7 : memref<!tpu.dma_semaphore, #tpu.memory_space<semaphore_mem>>) src(%dma_wait3A_30 : memref<6144x1024xf32, #tpu.memory_space<hbm>>) dst(%arg6 : memref<64x1024xf32, #tpu.memory_space<vmem>>)
    %add3A_31 = arith.constant 64 : i32
    %add3A_32 = arith.addi %mul3A_2, %add3A_31 : i32
    "tpu.region"() ({
      %run_scoped3A = tpu.sem_alloc : memref<!tpu.dma_semaphore, #tpu.memory_space<semaphore_mem>>
      %dma_start3A_33 = arith.constant 0 : i32
      %dma_start3A_34 = tpu.memref_slice %arg4[%add3A_32, %dma_start3A_33] : memref<4096x1024xf32, #tpu.memory_space<hbm>> -> memref<64x1024xf32, #tpu.memory_space<hbm>>
      %dma_start3A_35 = arith.constant 0 : i32
      %dma_start3A_36 = tpu.memref_slice %arg4[%add3A_32, %dma_start3A_35] : memref<4096x1024xf32, #tpu.memory_space<hbm>> -> memref<64x1024xf32, #tpu.memory_space<hbm>>
      tpu.enqueue_dma source(%arg6 : memref<64x1024xf32, #tpu.memory_space<vmem>>) target(%dma_start3A_36 : memref<64x1024xf32, #tpu.memory_space<hbm>>) target_semaphore(%run_scoped3A : memref<!tpu.dma_semaphore, #tpu.memory_space<semaphore_mem>>)
      %dma_wait3A_37 = arith.constant 0 : i32
      %dma_wait3A_38 = tpu.memref_slice %arg4[%add3A_32, %dma_wait3A_37] : memref<4096x1024xf32, #tpu.memory_space<hbm>> -> memref<64x1024xf32, #tpu.memory_space<hbm>>
      %dma_wait3A_39 = arith.constant 0 : i32
      %dma_wait3A_40 = tpu.memref_slice %arg4[%add3A_32, %dma_wait3A_39] : memref<4096x1024xf32, #tpu.memory_space<hbm>> -> memref<64x1024xf32, #tpu.memory_space<hbm>>
      tpu.wait_dma2 semaphore(%run_scoped3A : memref<!tpu.dma_semaphore, #tpu.memory_space<semaphore_mem>>) src(%arg6 : memref<64x1024xf32, #tpu.memory_space<vmem>>) dst(%dma_wait3A_40 : memref<64x1024xf32, #tpu.memory_space<hbm>>)
      tpu.yield
    }) : () -> ()
    return
  }
}

module attributes {stable_mosaic.version = 14 : i64} {
  func.func @_ffn_body(%arg0: i32, %arg1: i32, %arg2: memref<24xi32, #tpu.memory_space<smem>>, %arg3: memref<1xi32, #tpu.memory_space<smem>>, %arg4: memref<256x1024xf32, #tpu.memory_space<vmem>>, %arg5: memref<1x512x1024xf32, #tpu.memory_space<vmem>>, %arg6: memref<1x1x4096xf32, #tpu.memory_space<vmem>>, %arg7: memref<1x1024x512xf32, #tpu.memory_space<vmem>>, %arg8: memref<1x1x1024xf32, #tpu.memory_space<vmem>>, %arg9: memref<256x1024xf32, #tpu.memory_space<vmem>>) attributes {dimension_semantics = [#tpu.dimension_semantics<arbitrary>, #tpu.dimension_semantics<arbitrary>], iteration_bounds = array<i64: 24, 8>, scalar_prefetch = 2 : i64, scratch_operands = 0 : i64, tpu.core_type = #tpu.core_type<tc>, window_params = [{transform_indices = @transform_0, window_bounds = array<i64: 256, 1024>}, {transform_indices = @transform_1, window_bounds = array<i64: 1, 512, 1024>}, {transform_indices = @transform_2, window_bounds = array<i64: 1, 1, 4096>}, {transform_indices = @transform_3, window_bounds = array<i64: 1, 1024, 512>}, {transform_indices = @transform_4, window_bounds = array<i64: 1, 1, 1024>}, {transform_indices = @transform_5, window_bounds = array<i64: 256, 1024>}]} {
    %get3A = arith.constant 0 : index
    %get3A_0 = memref.load %arg3[%get3A] : memref<1xi32, #tpu.memory_space<smem>>
    %lt3A = arith.cmpi slt, %arg0, %get3A_0 : i32
    %convert_element_type3A = arith.extui %lt3A : i1 to i32
    %cond3A = arith.constant 0 : i32
    %cond3A_1 = arith.cmpi ne, %convert_element_type3A, %cond3A : i32
    scf.if %cond3A_1 {
      %get3A_2 = arith.constant 0 : index
      %get3A_3 = arith.constant 0 : index
      %get3A_4 = vector.load %arg4[%get3A_2, %get3A_3] : memref<256x1024xf32, #tpu.memory_space<vmem>>, vector<256x1024xf32>
      %get3A_5 = arith.constant 0 : index
      %get3A_6 = arith.constant 0 : index
      %get3A_7 = arith.constant 0 : index
      %get3A_8 = vector.load %arg5[%get3A_5, %get3A_6, %get3A_7] : memref<1x512x1024xf32, #tpu.memory_space<vmem>>, vector<1x512x1024xf32>
      %get3A_9 = vector.shape_cast %get3A_8 : vector<1x512x1024xf32> to vector<512x1024xf32>
      %dot_general3A = arith.constant dense<0.000000e+00> : vector<256x512xf32>
      %dot_general3A_10 = tpu.matmul %get3A_4, %get3A_9, %dot_general3A {dimension_numbers = #tpu.dot_dimension_numbers<[1], [1], [0], [0], [0, 0, 1, 0], [], []>, transpose_lhs_hint = false} : vector<256x1024xf32>, vector<512x1024xf32>, vector<256x512xf32> -> vector<256x512xf32>
      %mul3A = arith.constant 512 : i32
      %mul3A_11 = arith.muli %arg1, %mul3A : i32
      %get3A_12 = arith.constant 0 : index
      %get3A_13 = arith.constant 0 : index
      %get3A_14 = arith.index_cast %mul3A_11 : i32 to index
      %get3A_15 = vector.load %arg6[%get3A_12, %get3A_13, %get3A_14] : memref<1x1x4096xf32, #tpu.memory_space<vmem>>, vector<1x1x512xf32>
      %get3A_16 = vector.shape_cast %get3A_15 : vector<1x1x512xf32> to vector<512xf32>
      %broadcast_in_dim3A = vector.shape_cast %get3A_16 : vector<512xf32> to vector<1x512xf32>
      %add3A = vector.broadcast %broadcast_in_dim3A : vector<1x512xf32> to vector<256x512xf32>
      %add3A_17 = arith.addf %dot_general3A_10, %add3A : vector<256x512xf32>
      %max3A = arith.constant 0.000000e+00 : f32
      %max3A_18 = vector.broadcast %max3A : f32 to vector<256x512xf32>
      %max3A_19 = arith.maximumf %add3A_17, %max3A_18 : vector<256x512xf32>
      %get3A_20 = arith.constant 0 : index
      %get3A_21 = arith.constant 0 : index
      %get3A_22 = arith.constant 0 : index
      %get3A_23 = vector.load %arg7[%get3A_20, %get3A_21, %get3A_22] : memref<1x1024x512xf32, #tpu.memory_space<vmem>>, vector<1x1024x512xf32>
      %get3A_24 = vector.shape_cast %get3A_23 : vector<1x1024x512xf32> to vector<1024x512xf32>
      %dot_general3A_25 = arith.constant dense<0.000000e+00> : vector<256x1024xf32>
      %dot_general3A_26 = tpu.matmul %max3A_19, %get3A_24, %dot_general3A_25 {dimension_numbers = #tpu.dot_dimension_numbers<[1], [1], [0], [0], [0, 0, 1, 0], [], []>, transpose_lhs_hint = false} : vector<256x512xf32>, vector<1024x512xf32>, vector<256x1024xf32> -> vector<256x1024xf32>
      %eq3A = arith.constant 0 : i32
      %eq3A_27 = arith.cmpi eq, %arg1, %eq3A : i32
      %convert_element_type3A_28 = arith.extui %eq3A_27 : i1 to i32
      %cond3A_29 = arith.constant 0 : i32
      %cond3A_30 = arith.cmpi ne, %convert_element_type3A_28, %cond3A_29 : i32
      scf.if %cond3A_30 {
        %get3A_35 = arith.constant 0 : index
        %get3A_36 = arith.constant 0 : index
        %get3A_37 = arith.constant 0 : index
        %get3A_38 = vector.load %arg8[%get3A_35, %get3A_36, %get3A_37] : memref<1x1x1024xf32, #tpu.memory_space<vmem>>, vector<1x1x1024xf32>
        %get3A_39 = vector.shape_cast %get3A_38 : vector<1x1x1024xf32> to vector<1024xf32>
        %broadcast_in_dim3A_40 = vector.shape_cast %get3A_39 : vector<1024xf32> to vector<1x1024xf32>
        %add3A_41 = vector.broadcast %broadcast_in_dim3A_40 : vector<1x1024xf32> to vector<256x1024xf32>
        %add3A_42 = arith.addf %dot_general3A_26, %add3A_41 : vector<256x1024xf32>
        %swap3A = arith.constant 0 : index
        %swap3A_43 = arith.constant 0 : index
        %swap3A_44 = vector.load %arg9[%swap3A, %swap3A_43] : memref<256x1024xf32, #tpu.memory_space<vmem>>, vector<256x1024xf32>
        tpu.vector_store %arg9[%swap3A, %swap3A_43], %add3A_42 {strides = array<i32>} : memref<256x1024xf32, #tpu.memory_space<vmem>>, vector<256x1024xf32>,
      } else {
      }
      %gt3A = arith.constant 0 : i32
      %gt3A_31 = arith.cmpi sgt, %arg1, %gt3A : i32
      %convert_element_type3A_32 = arith.extui %gt3A_31 : i1 to i32
      %cond3A_33 = arith.constant 0 : i32
      %cond3A_34 = arith.cmpi ne, %convert_element_type3A_32, %cond3A_33 : i32
      scf.if %cond3A_34 {
        %get3A_35 = arith.constant 0 : index
        %get3A_36 = arith.constant 0 : index
        %get3A_37 = vector.load %arg9[%get3A_35, %get3A_36] : memref<256x1024xf32, #tpu.memory_space<vmem>>, vector<256x1024xf32>
        %add3A_38 = arith.addf %get3A_37, %dot_general3A_26 : vector<256x1024xf32>
        %swap3A = arith.constant 0 : index
        %swap3A_39 = arith.constant 0 : index
        %swap3A_40 = vector.load %arg9[%swap3A, %swap3A_39] : memref<256x1024xf32, #tpu.memory_space<vmem>>, vector<256x1024xf32>
        tpu.vector_store %arg9[%swap3A, %swap3A_39], %add3A_38 {strides = array<i32>} : memref<256x1024xf32, #tpu.memory_space<vmem>>, vector<256x1024xf32>,
      } else {
      }
    } else {
    }
    return
  }
  func.func @transform_0(%arg0: i32, %arg1: i32, %arg2: memref<24xi32, #tpu.memory_space<smem>>, %arg3: memref<1xi32, #tpu.memory_space<smem>>) -> (i32, i32) {
    %c0_i32 = arith.constant 0 : i32
    %c0_i32_0 = arith.constant 0 : i32
    return %arg0, %c0_i32 : i32, i32
  }
  func.func @transform_1(%arg0: i32, %arg1: i32, %arg2: memref<24xi32, #tpu.memory_space<smem>>, %arg3: memref<1xi32, #tpu.memory_space<smem>>) -> (i32, i32, i32) {
    %get3A = arith.index_cast %arg0 : i32 to index
    %get3A_0 = memref.load %arg2[%get3A] : memref<24xi32, #tpu.memory_space<smem>>
    %c0_i32 = arith.constant 0 : i32
    %c0_i32_1 = arith.constant 0 : i32
    return %get3A_0, %arg1, %c0_i32 : i32, i32, i32
  }
  func.func @transform_2(%arg0: i32, %arg1: i32, %arg2: memref<24xi32, #tpu.memory_space<smem>>, %arg3: memref<1xi32, #tpu.memory_space<smem>>) -> (i32, i32, i32) {
    %get3A = arith.index_cast %arg0 : i32 to index
    %get3A_0 = memref.load %arg2[%get3A] : memref<24xi32, #tpu.memory_space<smem>>
    %c0_i32 = arith.constant 0 : i32
    %c0_i32_1 = arith.constant 0 : i32
    %c0_i32_2 = arith.constant 0 : i32
    return %get3A_0, %c0_i32, %c0_i32_1 : i32, i32, i32
  }
  func.func @transform_3(%arg0: i32, %arg1: i32, %arg2: memref<24xi32, #tpu.memory_space<smem>>, %arg3: memref<1xi32, #tpu.memory_space<smem>>) -> (i32, i32, i32) {
    %get3A = arith.index_cast %arg0 : i32 to index
    %get3A_0 = memref.load %arg2[%get3A] : memref<24xi32, #tpu.memory_space<smem>>
    %c0_i32 = arith.constant 0 : i32
    %c0_i32_1 = arith.constant 0 : i32
    return %get3A_0, %c0_i32, %arg1 : i32, i32, i32
  }
  func.func @transform_4(%arg0: i32, %arg1: i32, %arg2: memref<24xi32, #tpu.memory_space<smem>>, %arg3: memref<1xi32, #tpu.memory_space<smem>>) -> (i32, i32, i32) {
    %get3A = arith.index_cast %arg0 : i32 to index
    %get3A_0 = memref.load %arg2[%get3A] : memref<24xi32, #tpu.memory_space<smem>>
    %c0_i32 = arith.constant 0 : i32
    %c0_i32_1 = arith.constant 0 : i32
    %c0_i32_2 = arith.constant 0 : i32
    return %get3A_0, %c0_i32, %c0_i32_1 : i32, i32, i32
  }
  func.func @transform_5(%arg0: i32, %arg1: i32, %arg2: memref<24xi32, #tpu.memory_space<smem>>, %arg3: memref<1xi32, #tpu.memory_space<smem>>) -> (i32, i32) {
    %c0_i32 = arith.constant 0 : i32
    %c0_i32_0 = arith.constant 0 : i32
    return %arg0, %c0_i32 : i32, i32
  }
}

</mosaic_0001>

<sc_bundles>
// kernel: gather_offload_async_start
scs
__scs_entry_jumppad:
0x0: {  	(pc) =	sbr.rel $0x88, $3  }
0x1: {  	(tag) =	ssettag $0x0;
	lr =	simm.s32 $0x1  }
0x2: {  	[smem:$0x3F9A] =	sst lr;
	_ =	strace $0xD0000000  }
0x3: {  	_ = 	snop  }
0x4: {  	_ = 	snop  }
0x5: {  	_ = 	snop  }
0x6: {  	_ = 	snop  }
0x7: {  	_ = 	snop  }
__scs_overlays_trampoline_lowered:
0x8: {  	[smem:$0x3FA9] =	sst s0  }
0x9: {  	[smem:$0x3FAA] =	sst s1  }
0xa: {  	[smem:$0x3FAB] =	sst s2  }
0xb: {  	[smem:$0x3FAC] =	sst s3  }
0xc: {  	[smem:$0x3FAD] =	sst s4  }
0xd: {  	[smem:$0x3FAE] =	sst s5  }
0xe: {  	[smem:$0x3FAF] =	sst s6  }
0xf: {  	[smem:$0x3FB0] =	sst s7  }
0x10: {  	[smem:$0x3FB1] =	sst s8  }
0x11: {  	[smem:$0x3FB2] =	sst s9;
	s0 =	simm.s32 @!p0 $0x0  }
0x12: {  	s1 =	sld [smem:$0x3F98];
	s0 =	simm.s32 @p0 $0x1  }
0x13: {  	[smem:$0x3FB3] =	sst s0;
	s0 =	simm.s32 @!p1 $0x0  }
0x14: {  	s2 =	sld [smem:$0x3F97];
	s0 =	simm.s32 @p1 $0x1  }
0x15: {  	[smem:$0x3FB4] =	sst s0;
	s0 =	simm.s32 @!p2 $0x0  }
0x16: {  	s3 =	sld [smem:$0x3FDB];
	s0 =	simm.s32 @p2 $0x1  }
0x17: {  	s4 =	simm.s32 $0x1BF5;
	[smem:$0x3FB6] =	sst s0  }
0x18: {  	s0 =	sld [smem:$0x3F99];
	_ =	swait.ge [sflag:s4], $0x0  }
0x19: {  	s7 =	sld [smem:$0x3F9A]  }
0x1a: {  	s8 =	sadd.s32 $0xFFFFE003, lr  }
0x1b: {  	s9 =	sadd.s32 $0xFFFFFEF7, lr;
	s5 =	simm.s32 $0xFFFFFFFF;
	p2 =	slt.u32 s8, $0xFFFFF086  }
0x1c: {  	p1 =	slt.u32 s9, $0xF7A;
	s5 =	simm.s32 @!p2 $0x0  }
0x1d: {  	s5 =	simm.s32 @p1 $0x1;
	p0 =	seq.s32 s7, s2  }
0x1e: {  	s7 =	smul.u32 @!p0 $0xF7A, s2;
	p2 =	seq.s32 @!p0 s5, $0x0  }
0x1f: {  	s9 =	smul.u32 $0xF7A, s1;
	s8 =	simm.s32 @!p0 $0x1BF5;
	p2 =	por !p2, p0  }
0x20: {  	[sflag:s8] =	ssyncset.s32 @!p0 $0xFFFFF086;
	s6 =	sadd.s32 @!p0 s3, s7;
	s7 =	simm.s32 @!p0 $0x108  }
0x21: {  	s3 =	sadd.s32 s3, s9;
	s6 =	sadd.s32 @!p0 $0x88, s6;
	s7 =	simm.s32 @p2 $0x1082  }
0x22: {  	[simem:s7], [sflag:s8] =	dma.local @!p0 [hbm:s6], $0xF7A  }
0x23: {  	s9 =	sor.u32 $0xD0000000, s2;
	s6 =	simm.s32 $0x108;
	_ =	swait.ge @!p0 [sflag:s8], $0x0  }
0x24: {  	s3 =	sadd.s32 $0x88, s3;
	s6 =	simm.s32 @!p1 $0x1082;
	[sflag:s4] =	ssyncset.s32 $0xFFFFF086  }
0x25: {  	[simem:s6], [sflag:s4] =	dma.local [hbm:s3], $0xF7A  }
0x26: {  	[smem:$0x3F9A] =	sst s1;
	(tag) =	ssettag s2;
	_ =	strace s9  }
0x27: {  	s1 =	sld [smem:$0x3FAA]  }
0x28: {  	s2 =	sld [smem:$0x3FAB]  }
0x29: {  	s4 =	sld [smem:$0x3FAD]  }
0x2a: {  	p0 =	seq.s32 s5, $0x0;
	s5 =	sld [smem:$0x3FAE]  }
0x2b: {  	s6 =	sld [smem:$0x3FAF]  }
0x2c: {  	s7 =	sld [smem:$0x3FB0]  }
0x2d: {  	s3 =	simm.s32 $0x108;
	s8 =	sld [smem:$0x3FB1]  }
0x2e: {  	s3 =	simm.s32 @!p0 $0x1082;
	s9 =	sld [smem:$0x3FB2]  }
0x2f: {  	lr =	sadd.s32 s0, s3;
	s0 =	sld [smem:$0x3FA9]  }
0x30: {  	s3 =	sld [smem:$0x3FAC]  }
0x31: {  	[smem:$0x3FB5] =	sst s10  }
0x32: {  	s10 =	sld [smem:$0x3FB3];
	_ =	sdelay $0x3  }
0x33: {  	p0 =	seq.s32 s10, $0x1;
	s10 =	sld [smem:$0x3FB5];
	_ =	sdelay $0x3  }
0x34: {  	[smem:$0x3FB5] =	sst s10  }
0x35: {  	s10 =	sld [smem:$0x3FB4];
	_ =	sdelay $0x3  }
0x36: {  	p1 =	seq.s32 s10, $0x1;
	s10 =	sld [smem:$0x3FB5];
	_ =	sdelay $0x3  }
0x37: {  	[smem:$0x3FB5] =	sst s10  }
0x38: {  	s10 =	sld [smem:$0x3FB6]  }
0x39: {  	_ = 	snop;
	(pc) =	sbr.ind lr, $3  }
0x3a: {  	_ = 	snop  }
0x3b: {  	_ = 	snop  }
0x3c: {  	p2 =	seq.s32 s10, $0x1;
	s10 =	sld [smem:$0x3FB5]  }
0x3d: {  	_ =	shalt  }
0x3e: {  	_ =	shalt  }
0x3f: {  	_ =	shalt  }
0x40: {  	_ =	shalt  }
0x41: {  	_ =	shalt  }
0x42: {  	_ =	shalt  }
0x43: {  	_ =	shalt  }
0x44: {  	_ =	shalt  }
0x45: {  	_ =	shalt  }
0x46: {  	_ =	shalt  }
0x47: {  	_ =	shalt  }
0x48: {  	_ =	shalt  }
0x49: {  	_ =	shalt  }
0x4a: {  	_ =	shalt  }
0x4b: {  	_ =	shalt  }
0x4c: {  	_ =	shalt  }
0x4d: {  	_ =	shalt  }
0x4e: {  	_ =	shalt  }
0x4f: {  	_ =	shalt  }
0x50: {  	_ =	shalt  }
0x51: {  	_ =	shalt  }
0x52: {  	_ =	shalt  }
0x53: {  	_ =	shalt  }
0x54: {  	_ =	shalt  }
0x55: {  	_ =	shalt  }
0x56: {  	_ =	shalt  }
0x57: {  	_ =	shalt  }
0x58: {  	_ =	shalt  }
0x59: {  	_ =	shalt  }
0x5a: {  	_ =	shalt  }
0x5b: {  	_ =	shalt  }
0x5c: {  	_ =	shalt  }
0x5d: {  	_ =	shalt  }
0x5e: {  	_ =	shalt  }
0x5f: {  	_ =	shalt  }
0x60: {  	_ =	shalt  }
0x61: {  	_ =	shalt  }
0x62: {  	_ =	shalt  }
0x63: {  	_ =	shalt  }
0x64: {  	_ =	shalt  }
0x65: {  	_ =	shalt  }
0x66: {  	_ =	shalt  }
0x67: {  	_ =	shalt  }
0x68: {  	_ =	shalt  }
0x69: {  	_ =	shalt  }
0x6a: {  	_ =	shalt  }
0x6b: {  	_ =	shalt  }
0x6c: {  	_ =	shalt  }
0x6d: {  	_ =	shalt  }
0x6e: {  	_ =	shalt  }
0x6f: {  	_ =	shalt  }
0x70: {  	_ =	shalt  }
0x71: {  	_ =	shalt  }
0x72: {  	_ =	shalt  }
0x73: {  	_ =	shalt  }
0x74: {  	_ =	shalt  }
0x75: {  	_ =	shalt  }
0x76: {  	_ =	shalt  }
0x77: {  	_ =	shalt  }
0x78: {  	_ =	shalt  }
0x79: {  	_ =	shalt  }
0x7a: {  	_ =	shalt  }
0x7b: {  	_ =	shalt  }
0x7c: {  	_ =	shalt  }
0x7d: {  	_ =	shalt  }
0x7e: {  	_ =	shalt  }
0x7f: {  	_ =	shalt  }
0x80: {  	_ =	shalt  }
0x81: {  	_ =	shalt  }
0x82: {  	_ =	shalt  }
0x83: {  	_ =	shalt  }
0x84: {  	_ =	shalt  }
0x85: {  	_ =	shalt  }
0x86: {  	_ =	shalt  }
0x87: {  	_ =	shalt  }
.Lfunc_end0:
.L_simem_size_0:
called_computation_lowered:
.L_overlay_start_0:
0x88: {  	s2 =	sld [smem:$0x3FD9]  }
0x89: {  	s3 =	sld [smem:$0x3FFE];
	_ =	sdelay $0x1  }
0x8a: {  	s1 =	srdreg.scid  }
0x8b: {  	s0 =	sand.u32 $0x1, s1  }
0x8c: {  	s17 =	sshll.u32 s0, $0xA;
	s2 =	sadd.s32 s3, s2  }
0x8d: {  	s2 =	sadd.s32 s2, s17  }
0x8e: {  	[smem:$0x3FC1] =	sst s2  }
0x8f: {  	_ = 	snop  }
0x90: {  	s2 =	sld [smem:$0x3FD0];
	(tm) =	ssettm $0x1  }
0x91: {  	s18 =	sld [smem:$0x3FFB];
	_ =	sdelay $0x3  }
0x92: {  	_ =	strace s18  }
0x93: {  	s3 =	sld [smem:$0x3FFC];
	_ =	sdelay $0x3  }
0x94: {  	_ =	strace s3  }
0x95: {  	s3 =	sld [smem:$0x3FFD];
	_ =	sdelay $0x3  }
0x96: {  	_ =	strace s3  }
0x97: {  	_ =	strace $0x8FFFFFFF  }
0x98: {  	s19 =	sld [smem:$0x3FDB];
	_ =	sdelay $0x1  }
0x99: {  	s4 =	simm.s32 $_scs_section_size  }
0x9a: {  	s5 =	simm.s32 $_size__tile_overlayer_lowered;
	s6 =	simm.s32 $_tile_overlayer_lowered  }
0x9b: {  	s22 =	simm.s32 $0x1BFF;
	s21 =	sshll.u32 s6, $0x1;
	s3 =	sadd.s32 s4, s19  }
0x9c: {  	s7 =	simm.s32 $0x0;
	s20 =	sshll.u32 s5, $0x1;
	s5 =	sadd.s32 s21, s3  }
0x9d: {  	[timem:s7], [sflag:s22] =	dma.local [hbm:s5], s20  }
0x9e: {  	_ =	swait.ge [sflag:s22], s20  }
0x9f: {  	s4 =	ssub.s32 $0x0, s20;
	[sflag:s22] =	ssyncset.done $0x0  }
0xa0: {  	[sflag:s22] =	ssyncadd.s32 s4;
	_ =	sdelay $0x1  }
0xa1: {  	s23 =	simm.s32 $0x1B8B  }
0xa2: {  	_ =	swait.ge [sflag:s23], $0x1  }
0xa3: {  	[sflag:s23] =	ssyncset.done $0x0  }
0xa4: {  	s25 =	simm.s32 $0x1B8E;
	s24 =	sld [smem:$0x3FFE];
	[sflag:s23] =	ssyncadd.s32 $0xFFFFFFFF  }
0xa5: {  	s26 =	simm.s32 $execute0_lowered;
	[smem:$0x3FD2] =	sst s25  }
0xa6: {  	s5 =	sshll.u32 s26, $0x1;
	_ =	strace $0x80000046;
	[dreg:$0x1] =	wrdreg $0xFFFFFFFF  }
0xa7: {  	s28 =	simm.s32 $_size_execute0_lowered;
	s3 =	sadd.s32 s3, s5;
	[dreg:$0x0] =	wrdreg $0x0  }
0xa8: {  	s5 =	sshll.u32 s28, $0x1;
	[dreg:$0x2] =	wrdreg s3  }
0xa9: {  	[dreg:$0x3] =	wrdreg s5  }
0xaa: {  	[dreg:$0x4] =	wrdreg $0xC0  }
0xab: {  	_ =	task [dreg:s7], $0x5FFFF  }
0xac: {  	[dreg:$0x1] =	wrdreg $0xFFFFFFFF  }
0xad: {  	[dreg:$0x0] =	wrdreg $0x60  }
0xae: {  	[dreg:$0x2] =	wrdreg s2  }
0xaf: {  	[dreg:$0x3] =	wrdreg s24  }
0xb0: {  	[dreg:$0x4] =	wrdreg $0x9  }
0xb1: {  	_ =	task.clear_ibuf [dreg:s7], $0x5FFFF;
	_ =	strace $0x90000046  }
0xb2: {  	s29 =	simm.s32 $0x9;
	_ =	strace $0x80000048  }
0xb3: {  	_ =	swait.ge [sflag:s29], $0x1  }
0xb4: {  	[sflag:s29] =	ssyncadd.s32 $0xFFFFFFFF  }
0xb5: {  	_ =	strace $0x90000048  }
0xb6: {  	_ =	sfence  }
0xb7: {  	s30 =	sld [smem:$0x0];
	_ =	sdelay $0x2  }
0xb8: {  	s31 =	sshll.u32 s1, $0xD;
	s1 =	sshrl.u32 s1, $0x2  }
0xb9: {  	s3 =	sand.u32 $0x4000, s31;
	s1 =	sadd.s32 s1, s30  }
0xba: {  	s0 =	sor.u32 s3, s0;
	s1 =	sshll.u32 s1, $0x11  }
0xbb: {  	s0 =	sor.u32 s1, s0  }
0xbc: {  	s0 =	sadd.s32 $0x8F2B, s0  }
0xbd: {  	[sflag:s0] =	ssyncadd.remote.s32 $0x1  }
0xbe: {  	_ =	sfence.sel $0xFFFF  }
0xbf: {  	[dreg:$0x0] =	wrdreg $0xFFFFFFFF;
	(pc) =	sbr.abs _section_cstart, $3  }
0xc0: {  	[dreg:$0x1] =	wrdreg $0xFFFFFFFF  }
0xc1: {  	_ =	task.clear_ibuf [dreg:s7], $0x2FFFF;
	_ =	strace $0x9FFFFFFF  }
0xc2: {  	(tm) =	ssettm $0x7FFFFFFF  }
0xc3: {  	_ =	shalt  }
tec
execute0_lowered:
.L_overlay_start_1:
0x0: {  	(tag) =	ssettag $0x1  }
0x1: {  	s1 =	srdreg.scid;
	s2 =	rddreg [dreg:$0x0]  }
0x2: {  	s0 =	stileid.u32;
	s3 =	rddreg [dreg:$0x1]  }
0x3: {  	s6 =	simm.s32 $0x1;
	s9 =	simm.s32 $0x1;
	s1 =	sshll.u32 s1, $0x6  }
0x4: {  	s10 =	simm.s32 $0x3;
	s4 =	sshll.u32 s0, $0x7;
	s5 =	sand.u32 $0x40, s1  }
0x5: {  	s13 =	simm.s32 $0x0;
	s12 =	simm.s32 $0x0;
	s4 =	sor.u32 s4, s5  }
0x6: {  	s1 =	rddreg [dreg:$0x2];
	_ =	strace $0x80000047;
	s8 =	ssub.s32 $0x1000, s4  }
.Ltmp0:
0x7: {  	s5 =	sadd.s32 $0x200, s3;
	s7 =	sand.u32 $0x7C0, s8;
	(pc) =	sbr.rel .LBB2_1-.Ltmp0, $4  }
0x8: {  	[sflag:s6] =	ssyncpa.u1 $0x0;
	s11 =	smov.u32 s4;
	p0 =	sne.s32 s7, $0x0  }
0x9: {  	s8 =	sshrl.u32 s8, $0xB;
	s7 =	simm.s32 $0x2;
	s9 =	simm.s32 @!p0 $0x0  }
0xa: {  	[sflag:s7] =	ssyncpa.u1 $0x0;
	p0 =	por $0x0, $0x0;
	s8 =	sadd.s32 s9, s8  }
0xb: {  	vm0 =	vmmov $0xffff;
	[sflag:s10] =	ssyncpa.u1 $0x0;
	s10 =	simm.s32 $0x0;
	s9 =	sadd.s32 $0x1, s8  }
.LBB2_4:
0xc: {  	v1 =	vsel vm1, $0xFFFFFFFF, v1;
	v2 =	vand.u32 $0x7, v2  }
0xd: {  	v2 =	vsel vm1, $0xFFFFFFFF, v2;
	v3 =	vshll.u32 v1, $0x3  }
0xe: {  	v4 =	vand.u32 $0xFFFF8000, v2;
	v3 =	vand.u32 $0xFFFFFC00, v3;
	v2 =	vshll.u32 v2, $0x7  }
0xf: {  	v3 =	vadd.s32 v3, v4;
	v2 =	vand.u32 $0x380, v2  }
0x10: {  	v1 =	vand.u32 $0x7F, v1;
	v2 =	vor.u32 v2, v3  }
0x11: {  	v1 =	vor.u32 v1, v2;
	_ =	sdelay $0x1  }
0x12: {  	(ifvalue) =	ssetifvalue $0x7FFFFFFF;
	s15 =	sadd.s32 $0x10, s15  }
0x13: {  	[tilespmem:s15], [sflag:$0x1] =	stream.indirect_vreg.gather [hbm4b:s2+s10], $0x1, v0, vm0, $0x4038;
	[tilespmem:$0x100] =	vst v63  }
0x14: {  	(ifvalue) =	ssetifvalue $0x7FFFFFFF;
	s15 =	sadd.s32 $0x10, s15  }
0x15: {  	[tilespmem:s15], [sflag:$0x1] =	stream.indirect_vreg.gather [hbm4b:s2+s10], $0x1, v1, vm0, $0x4038;
	[tilespmem:$0x100] =	vst v63  }
0x16: {  	_ =	swait.ge [sflag:s6], $0x40  }
0x17: {  	s30 =	sshrl.u32 s13, $0x3;
	[sflag:s6] =	ssyncset.done $0x0  }
0x18: {  	s31 =	sand.u32 $0x7, s13;
	s15 =	sadd.s32 s5, s30;
	[sflag:s6] =	ssyncadd.s32 $0xFFFFFFC0  }
0x19: {  	[hbm4b:s15+s31] =	stream.linear.scatter [tilespmem:s14], [sflag:$0x3], $0x40, $0x38;
	[tilespmem:$0x100] =	vst v63  }
.LBB2_5:
0x1a: {  	s15 =	sadd.s32 $0x800, s11  }
0x1b: {  	p2 =	sgt.s32 s15, $0xFFF  }
0x1c: {  	s15 =	smov.u32 @p2 s4;
	p2 =	sne.s32 s12, s9  }
.Ltmp1:
0x1d: {  	p1 =	slt.u32 s12, $0x2;
	(pc) =	sbr.rel @!p2 .LBB2_6-.Ltmp1, $4  }
0x1e: {  	s14 =	simm.s32 @!p1 $0x3  }
0x1f: {  	s16 =	sadd.s32 $0x1, s12;
	_ =	swait.ge @!p1 [sflag:s14], $0x40  }
0x20: {  	s13 =	smov.u32 s11;
	p0 =	por !p0, !p0;
	[sflag:s14] =	ssyncset.done @!p1 $0x0  }
0x21: {  	s12 =	smov.u32 s16;
	s11 =	smov.u32 s15;
	[sflag:s14] =	ssyncadd.s32 @!p1 $0xFFFFFFC0  }
.LBB2_1:
0x22: {  	p1 =	sge.u32 s12, s8  }
0x23: {  	s14 =	sxor.u32 @!p1 $0xFFFFFFFF, s12  }
0x24: {  	s31 =	sadd.s32 $0xFFFFFFFF, s12;
	s15 =	sshrl.u32 @!p1 s11, $0x3;
	s14 =	sshll.u32 @!p1 s14, $0x6  }
0x25: {  	s16 =	sand.u32 @!p1 $0x7, s11;
	s15 =	sadd.s32 @!p1 s3, s15;
	s14 =	sand.u32 @!p1 $0x40, s14  }
0x26: {  	[tilespmem:s14], [sflag:$0x2] =	stream.linear.gather @!p1 [hbm4b:s15+s16], $0x40, $0x38;
	[tilespmem:$0x100] =	vst v63  }
0x27: {  	p1 =	sge.u32 s31, s8  }
.Ltmp2:
0x28: {  	_ = 	snop;
	(pc) =	sbr.rel @p1 .LBB2_5-.Ltmp2, $1  }
0x29: {  	_ =	sdelay $0x3  }
0x2a: {  	s14 =	simm.s32 $0x1  }
0x2b: {  	_ =	swait.ge [sflag:s7], $0x40;
	s14 =	simm.s32 @!p0 $0x0  }
0x2c: {  	[sflag:s7] =	ssyncset.done $0x0;
	s14 =	sshll.u32 s14, $0x6  }
0x2d: {  	[sflag:s7] =	ssyncadd.s32 $0xFFFFFFC0;
	(ifvalue) =	ssetifvalue $0x7FFFFFFF;
	v0 =	vld.msk [tilespmem:s14+$0x0 ss:$0x1], $0xffff;
	_ =	sdelay $0x3  }
0x2e: {  	s15 =	sadd.s32 $0x10, s14  }
0x2f: {  	v2 =	vld.msk [tilespmem:s15+$0x0 ss:$0x1], $0xffff;
	vm1 =	veq.s32 v0, $0x80000000;
	v1 =	vand.u32 $0xFFF, v0;
	v0 =	vshrl.u32 v0, $0xC  }
0x30: {  	v1 =	vsel vm1, $0xFFFFFFFF, v1;
	v0 =	vand.u32 $0x7, v0  }
0x31: {  	v0 =	vsel vm1, $0xFFFFFFFF, v0;
	v3 =	vshll.u32 v1, $0x3  }
0x32: {  	v4 =	vand.u32 $0xFFFF8000, v0;
	v3 =	vand.u32 $0xFFFFFC00, v3;
	v0 =	vshll.u32 v0, $0x7  }
0x33: {  	v3 =	vadd.s32 v3, v4;
	v0 =	vand.u32 $0x380, v0  }
0x34: {  	v1 =	vand.u32 $0x7F, v1;
	vm1 =	veq.s32 v2, $0x80000000;
	v0 =	vor.u32 v0, v3  }
0x35: {  	v0 =	vor.u32 v1, v0;
	v1 =	vand.u32 $0xFFF, v2;
	v2 =	vshrl.u32 v2, $0xC  }
0x36: {  	s17 =	sadd.s32 $0x10, s15;
	v1 =	vsel vm1, $0xFFFFFFFF, v1;
	v2 =	vand.u32 $0x7, v2  }
0x37: {  	v3 =	vld.msk [tilespmem:s17+$0x0 ss:$0x1], $0xffff;
	v2 =	vsel vm1, $0xFFFFFFFF, v2;
	v63 =	vshll.u32 v1, $0x3  }
0x38: {  	v5 =	vand.u32 $0xFFFF8000, v2;
	v4 =	vand.u32 $0xFFFFFC00, v63;
	v2 =	vshll.u32 v2, $0x7  }
0x39: {  	s31 =	sshll.u32 s12, $0x6;
	s15 =	sor.u32 $0x80, s14;
	(ifvalue) =	ssetifvalue $0x7FFFFFFF;
	v4 =	vadd.s32 v4, v5;
	v2 =	vand.u32 $0x380, v2  }
0x3a: {  	[tilespmem:s15], [sflag:$0x1] =	stream.indirect_vreg.gather [hbm4b:s2+s10], $0x1, v0, vm0, $0x4038;
	v0 =	vand.u32 $0x7F, v1;
	v1 =	vor.u32 v2, v4;
	[tilespmem:$0x100] =	vst v63  }
0x3b: {  	s14 =	sand.u32 $0x40, s31;
	v0 =	vor.u32 v0, v1  }
0x3c: {  	s16 =	simm.s32 $0x20;
	s14 =	sor.u32 $0x80, s14;
	s17 =	sadd.s32 $0x10, s17;
	vm1 =	veq.s32 v3, $0x80000000;
	v2 =	vshrl.u32 v3, $0xC;
	v1 =	vand.u32 $0xFFF, v3  }
.LBB2_3:
0x3d: {  	v3 =	vld.msk [tilespmem:s17+$0x0 ss:$0x1], $0xffff;
	s16 =	sadd.s32 $0x10, s16;
	v1 =	vsel vm1, $0xFFFFFFFF, v1;
	v2 =	vand.u32 $0x7, v2  }
0x3e: {  	p1 =	slt.u32 s16, $0x30;
	v2 =	vsel vm1, $0xFFFFFFFF, v2;
	v4 =	vshll.u32 v1, $0x3  }
.Ltmp3:
0x3f: {  	s15 =	sadd.s32 $0x10, s15;
	v5 =	vand.u32 $0xFFFF8000, v2;
	v4 =	vand.u32 $0xFFFFFC00, v4;
	v2 =	vshll.u32 v2, $0x7;
	(ifvalue) =	ssetifvalue $0x7FFFFFFF;
	(pc) =	sbr.rel @p1 .LBB2_3-.Ltmp3, $4  }
0x40: {  	v4 =	vadd.s32 v4, v5;
	v2 =	vand.u32 $0x380, v2;
	[tilespmem:s15], [sflag:$0x1] =	stream.indirect_vreg.gather [hbm4b:s2+s10], $0x1, v0, vm0, $0x4038;
	[tilespmem:$0x100] =	vst v63  }
0x41: {  	v0 =	vand.u32 $0x7F, v1;
	v1 =	vor.u32 v2, v4  }
0x42: {  	v0 =	vor.u32 v0, v1  }
0x43: {  	s17 =	sadd.s32 $0x10, s17;
	vm1 =	veq.s32 v3, $0x80000000;
	v1 =	vand.u32 $0xFFF, v3;
	v2 =	vshrl.u32 v3, $0xC  }
.Ltmp4:
0x44: {  	_ = 	snop;
	(pc) =	sbr.rel .LBB2_4-.Ltmp4, $1  }
0x45: {  	_ =	sdelay $0x3  }
.LBB2_6:
0x46: {  	_ =	sfence.sel $0x180000  }
0x47: {  	s2 =	simm.s32 $0x2;
	[bflag:$0x0] =	sbarrier.arrive $0xFFFF  }
0x48: {  	s30 =	simm.s32 $0x3;
	[sflag:s2] =	ssyncpa.u1 $0x1  }
0x49: {  	s31 =	simm.s32 $0x1;
	[sflag:s30] =	ssyncpa.u1 $0x1  }
0x4a: {  	[sflag:s31] =	ssyncpa.u1 $0x1  }
0x4b: {  	p0 =	sne.s32 s0, $0x0;
	_ =	strace $0x90000047  }
0x4c: {  	s0 =	sadd.s32 @!p0 $0x100000, s1;
	[bflag:$0x2] =	sbarrier.arrive $0xFFFF  }
0x4d: {  	[sflag:s0] =	ssyncadd.tile.s32 @!p0 $0x1;
	_ =	shalt  }
.Lfunc_end2:
_tile_overlayer_lowered:
.L_overlay_start_2:
0x4e: {  	(tag) =	ssettag $0x2  }
0x4f: {  	s0 =	rddreg [dreg:$0x0];
	s2 =	stileid.u32  }
0x50: {  	s1 =	rddreg [dreg:$0x1];
	p0 =	sne.s32 s2, $0x0  }
0x51: {  	s3 =	rddreg [dreg:$0x2];
	[bflag:$0x3] =	sbarrier.arrive $0xFFFF;
	s2 =	simm.s32 @!p0 $0x1C01  }
0x52: {  	[timem:s3], [sflag:s2] =	dma.local @!p0 [hbm:s0], s1  }
0x53: {  	s0 =	simm.s32 @!p0 $0x1  }
0x54: {  	_ =	swait.ge @!p0 [sflag:s0], s1  }
0x55: {  	s1 =	ssub.s32 @!p0 $0x0, s1;
	[sflag:s0] =	ssyncset.done @!p0 $0x0  }
0x56: {  	[sflag:s0] =	ssyncadd.s32 @!p0 s1  }
0x57: {  	[bflag:$0x3] =	sbarrier.arrive $0xFFFF  }
0x58: {  	_ =	shalt  }

// kernel: kernel.5.cloned.1.call-start
scs
__scs_entry_jumppad:
0x0: {  	(pc) =	sbr.rel $0x88, $3  }
0x1: {  	(tag) =	ssettag $0x0;
	lr =	simm.s32 $0x1  }
0x2: {  	[smem:$0x3F9A] =	sst lr;
	_ =	strace $0xD0000000  }
0x3: {  	_ = 	snop  }
0x4: {  	_ = 	snop  }
0x5: {  	_ = 	snop  }
0x6: {  	_ = 	snop  }
0x7: {  	_ = 	snop  }
__scs_overlays_trampoline_lowered:
0x8: {  	[smem:$0x3FA9] =	sst s0  }
0x9: {  	[smem:$0x3FAA] =	sst s1  }
0xa: {  	[smem:$0x3FAB] =	sst s2  }
0xb: {  	[smem:$0x3FAC] =	sst s3  }
0xc: {  	[smem:$0x3FAD] =	sst s4  }
0xd: {  	[smem:$0x3FAE] =	sst s5  }
0xe: {  	[smem:$0x3FAF] =	sst s6  }
0xf: {  	[smem:$0x3FB0] =	sst s7  }
0x10: {  	[smem:$0x3FB1] =	sst s8  }
0x11: {  	[smem:$0x3FB2] =	sst s9;
	s0 =	simm.s32 @!p0 $0x0  }
0x12: {  	s1 =	sld [smem:$0x3F98];
	s0 =	simm.s32 @p0 $0x1  }
0x13: {  	[smem:$0x3FB3] =	sst s0;
	s0 =	simm.s32 @!p1 $0x0  }
0x14: {  	s2 =	sld [smem:$0x3F97];
	s0 =	simm.s32 @p1 $0x1  }
0x15: {  	[smem:$0x3FB4] =	sst s0;
	s0 =	simm.s32 @!p2 $0x0  }
0x16: {  	s3 =	sld [smem:$0x3FDB];
	s0 =	simm.s32 @p2 $0x1  }
0x17: {  	s4 =	simm.s32 $0x1BF5;
	[smem:$0x3FB6] =	sst s0  }
0x18: {  	s0 =	sld [smem:$0x3F99];
	_ =	swait.ge [sflag:s4], $0x0  }
0x19: {  	s7 =	sld [smem:$0x3F9A]  }
0x1a: {  	s8 =	sadd.s32 $0xFFFFE003, lr  }
0x1b: {  	s9 =	sadd.s32 $0xFFFFFEF7, lr;
	s5 =	simm.s32 $0xFFFFFFFF;
	p2 =	slt.u32 s8, $0xFFFFF086  }
0x1c: {  	p1 =	slt.u32 s9, $0xF7A;
	s5 =	simm.s32 @!p2 $0x0  }
0x1d: {  	s5 =	simm.s32 @p1 $0x1;
	p0 =	seq.s32 s7, s2  }
0x1e: {  	s7 =	smul.u32 @!p0 $0xF7A, s2;
	p2 =	seq.s32 @!p0 s5, $0x0  }
0x1f: {  	s9 =	smul.u32 $0xF7A, s1;
	s8 =	simm.s32 @!p0 $0x1BF5;
	p2 =	por !p2, p0  }
0x20: {  	[sflag:s8] =	ssyncset.s32 @!p0 $0xFFFFF086;
	s6 =	sadd.s32 @!p0 s3, s7;
	s7 =	simm.s32 @!p0 $0x108  }
0x21: {  	s3 =	sadd.s32 s3, s9;
	s6 =	sadd.s32 @!p0 $0x88, s6;
	s7 =	simm.s32 @p2 $0x1082  }
0x22: {  	[simem:s7], [sflag:s8] =	dma.local @!p0 [hbm:s6], $0xF7A  }
0x23: {  	s9 =	sor.u32 $0xD0000000, s2;
	s6 =	simm.s32 $0x108;
	_ =	swait.ge @!p0 [sflag:s8], $0x0  }
0x24: {  	s3 =	sadd.s32 $0x88, s3;
	s6 =	simm.s32 @!p1 $0x1082;
	[sflag:s4] =	ssyncset.s32 $0xFFFFF086  }
0x25: {  	[simem:s6], [sflag:s4] =	dma.local [hbm:s3], $0xF7A  }
0x26: {  	[smem:$0x3F9A] =	sst s1;
	(tag) =	ssettag s2;
	_ =	strace s9  }
0x27: {  	s1 =	sld [smem:$0x3FAA]  }
0x28: {  	s2 =	sld [smem:$0x3FAB]  }
0x29: {  	s4 =	sld [smem:$0x3FAD]  }
0x2a: {  	p0 =	seq.s32 s5, $0x0;
	s5 =	sld [smem:$0x3FAE]  }
0x2b: {  	s6 =	sld [smem:$0x3FAF]  }
0x2c: {  	s7 =	sld [smem:$0x3FB0]  }
0x2d: {  	s3 =	simm.s32 $0x108;
	s8 =	sld [smem:$0x3FB1]  }
0x2e: {  	s3 =	simm.s32 @!p0 $0x1082;
	s9 =	sld [smem:$0x3FB2]  }
0x2f: {  	lr =	sadd.s32 s0, s3;
	s0 =	sld [smem:$0x3FA9]  }
0x30: {  	s3 =	sld [smem:$0x3FAC]  }
0x31: {  	[smem:$0x3FB5] =	sst s10  }
0x32: {  	s10 =	sld [smem:$0x3FB3];
	_ =	sdelay $0x3  }
0x33: {  	p0 =	seq.s32 s10, $0x1;
	s10 =	sld [smem:$0x3FB5];
	_ =	sdelay $0x3  }
0x34: {  	[smem:$0x3FB5] =	sst s10  }
0x35: {  	s10 =	sld [smem:$0x3FB4];
	_ =	sdelay $0x3  }
0x36: {  	p1 =	seq.s32 s10, $0x1;
	s10 =	sld [smem:$0x3FB5];
	_ =	sdelay $0x3  }
0x37: {  	[smem:$0x3FB5] =	sst s10  }
0x38: {  	s10 =	sld [smem:$0x3FB6]  }
0x39: {  	_ = 	snop;
	(pc) =	sbr.ind lr, $3  }
0x3a: {  	_ = 	snop  }
0x3b: {  	_ = 	snop  }
0x3c: {  	p2 =	seq.s32 s10, $0x1;
	s10 =	sld [smem:$0x3FB5]  }
0x3d: {  	_ =	shalt  }
0x3e: {  	_ =	shalt  }
0x3f: {  	_ =	shalt  }
0x40: {  	_ =	shalt  }
0x41: {  	_ =	shalt  }
0x42: {  	_ =	shalt  }
0x43: {  	_ =	shalt  }
0x44: {  	_ =	shalt  }
0x45: {  	_ =	shalt  }
0x46: {  	_ =	shalt  }
0x47: {  	_ =	shalt  }
0x48: {  	_ =	shalt  }
0x49: {  	_ =	shalt  }
0x4a: {  	_ =	shalt  }
0x4b: {  	_ =	shalt  }
0x4c: {  	_ =	shalt  }
0x4d: {  	_ =	shalt  }
0x4e: {  	_ =	shalt  }
0x4f: {  	_ =	shalt  }
0x50: {  	_ =	shalt  }
0x51: {  	_ =	shalt  }
0x52: {  	_ =	shalt  }
0x53: {  	_ =	shalt  }
0x54: {  	_ =	shalt  }
0x55: {  	_ =	shalt  }
0x56: {  	_ =	shalt  }
0x57: {  	_ =	shalt  }
0x58: {  	_ =	shalt  }
0x59: {  	_ =	shalt  }
0x5a: {  	_ =	shalt  }
0x5b: {  	_ =	shalt  }
0x5c: {  	_ =	shalt  }
0x5d: {  	_ =	shalt  }
0x5e: {  	_ =	shalt  }
0x5f: {  	_ =	shalt  }
0x60: {  	_ =	shalt  }
0x61: {  	_ =	shalt  }
0x62: {  	_ =	shalt  }
0x63: {  	_ =	shalt  }
0x64: {  	_ =	shalt  }
0x65: {  	_ =	shalt  }
0x66: {  	_ =	shalt  }
0x67: {  	_ =	shalt  }
0x68: {  	_ =	shalt  }
0x69: {  	_ =	shalt  }
0x6a: {  	_ =	shalt  }
0x6b: {  	_ =	shalt  }
0x6c: {  	_ =	shalt  }
0x6d: {  	_ =	shalt  }
0x6e: {  	_ =	shalt  }
0x6f: {  	_ =	shalt  }
0x70: {  	_ =	shalt  }
0x71: {  	_ =	shalt  }
0x72: {  	_ =	shalt  }
0x73: {  	_ =	shalt  }
0x74: {  	_ =	shalt  }
0x75: {  	_ =	shalt  }
0x76: {  	_ =	shalt  }
0x77: {  	_ =	shalt  }
0x78: {  	_ =	shalt  }
0x79: {  	_ =	shalt  }
0x7a: {  	_ =	shalt  }
0x7b: {  	_ =	shalt  }
0x7c: {  	_ =	shalt  }
0x7d: {  	_ =	shalt  }
0x7e: {  	_ =	shalt  }
0x7f: {  	_ =	shalt  }
0x80: {  	_ =	shalt  }
0x81: {  	_ =	shalt  }
0x82: {  	_ =	shalt  }
0x83: {  	_ =	shalt  }
0x84: {  	_ =	shalt  }
0x85: {  	_ =	shalt  }
0x86: {  	_ =	shalt  }
0x87: {  	_ =	shalt  }
.Lfunc_end0:
.L_simem_size_0:
called_computation.1_lowered:
.L_overlay_start_0:
0x88: {  	s2 =	sld [smem:$0x3FD9]  }
0x89: {  	s3 =	sld [smem:$0x3FFE];
	_ =	sdelay $0x1  }
0x8a: {  	s1 =	srdreg.scid  }
0x8b: {  	s0 =	sand.u32 $0x1, s1  }
0x8c: {  	s17 =	sshll.u32 s0, $0xA;
	s2 =	sadd.s32 s3, s2  }
0x8d: {  	s2 =	sadd.s32 s2, s17  }
0x8e: {  	[smem:$0x3FC1] =	sst s2  }
0x8f: {  	_ = 	snop  }
0x90: {  	s2 =	sld [smem:$0x3FC9]  }
0x91: {  	s18 =	sld [smem:$0x3FD0];
	(tm) =	ssettm $0x1  }
0x92: {  	s4 =	sld [smem:$0x3FFB];
	_ =	sdelay $0x3  }
0x93: {  	_ =	strace s4  }
0x94: {  	s4 =	sld [smem:$0x3FFC];
	_ =	sdelay $0x3  }
0x95: {  	_ =	strace s4  }
0x96: {  	s4 =	sld [smem:$0x3FFD];
	_ =	sdelay $0x3  }
0x97: {  	_ =	strace s4  }
0x98: {  	_ =	strace $0x8FFFFFFF  }
0x99: {  	s19 =	sld [smem:$0x3FDB];
	_ =	sdelay $0x1  }
0x9a: {  	s5 =	simm.s32 $_scs_section_size  }
0x9b: {  	s6 =	simm.s32 $_size__tile_overlayer_lowered;
	s7 =	simm.s32 $_tile_overlayer_lowered  }
0x9c: {  	s22 =	simm.s32 $0x1BFF;
	s21 =	sshll.u32 s7, $0x1;
	s4 =	sadd.s32 s5, s19  }
0x9d: {  	s8 =	simm.s32 $0x0;
	s20 =	sshll.u32 s6, $0x1;
	s6 =	sadd.s32 s21, s4  }
0x9e: {  	[timem:s8], [sflag:s22] =	dma.local [hbm:s6], s20  }
0x9f: {  	_ =	swait.ge [sflag:s22], s20  }
0xa0: {  	s5 =	ssub.s32 $0x0, s20;
	[sflag:s22] =	ssyncset.done $0x0  }
0xa1: {  	[sflag:s22] =	ssyncadd.s32 s5;
	_ =	sdelay $0x1  }
0xa2: {  	s23 =	simm.s32 $0x1B8B  }
0xa3: {  	_ =	swait.ge [sflag:s23], $0x1  }
0xa4: {  	[sflag:s23] =	ssyncset.done $0x0  }
0xa5: {  	s25 =	simm.s32 $0x1B8E;
	s24 =	sld [smem:$0x3FFE];
	[sflag:s23] =	ssyncadd.s32 $0xFFFFFFFF  }
0xa6: {  	s26 =	simm.s32 $execute0_lowered;
	[smem:$0x3FD2] =	sst s25  }
0xa7: {  	s6 =	sshll.u32 s26, $0x1;
	_ =	strace $0x80000049;
	[dreg:$0x1] =	wrdreg $0xFFFFFFFF  }
0xa8: {  	s28 =	simm.s32 $_size_execute0_lowered;
	s4 =	sadd.s32 s4, s6;
	[dreg:$0x0] =	wrdreg $0x0  }
0xa9: {  	s6 =	sshll.u32 s28, $0x1;
	[dreg:$0x2] =	wrdreg s4  }
0xaa: {  	[dreg:$0x3] =	wrdreg s6  }
0xab: {  	[dreg:$0x4] =	wrdreg $0xC0  }
0xac: {  	_ =	task [dreg:s8], $0x5FFFF  }
0xad: {  	[dreg:$0x1] =	wrdreg $0xFFFFFFFF  }
0xae: {  	[dreg:$0x0] =	wrdreg $0x60  }
0xaf: {  	[dreg:$0x2] =	wrdreg s2  }
0xb0: {  	[dreg:$0x3] =	wrdreg s18  }
0xb1: {  	[dreg:$0x4] =	wrdreg s24  }
0xb2: {  	[dreg:$0x5] =	wrdreg $0x9  }
0xb3: {  	_ =	task.clear_ibuf [dreg:s8], $0x6FFFF;
	_ =	strace $0x90000049  }
0xb4: {  	s29 =	simm.s32 $0x9;
	_ =	strace $0x8000004B  }
0xb5: {  	_ =	swait.ge [sflag:s29], $0x1  }
0xb6: {  	[sflag:s29] =	ssyncadd.s32 $0xFFFFFFFF  }
0xb7: {  	_ =	strace $0x9000004B  }
0xb8: {  	_ =	sfence  }
0xb9: {  	s30 =	sld [smem:$0x0];
	_ =	sdelay $0x2  }
0xba: {  	s31 =	sshll.u32 s1, $0xD;
	s1 =	sshrl.u32 s1, $0x2  }
0xbb: {  	s3 =	sand.u32 $0x4000, s31;
	s1 =	sadd.s32 s1, s30  }
0xbc: {  	s0 =	sor.u32 s3, s0;
	s1 =	sshll.u32 s1, $0x11  }
0xbd: {  	s0 =	sor.u32 s1, s0  }
0xbe: {  	s0 =	sadd.s32 $0x8F2B, s0  }
0xbf: {  	[sflag:s0] =	ssyncadd.remote.s32 $0x1  }
0xc0: {  	_ =	sfence.sel $0xFFFF  }
0xc1: {  	[dreg:$0x0] =	wrdreg $0xFFFFFFFF;
	(pc) =	sbr.abs _section_cstart, $3  }
0xc2: {  	[dreg:$0x1] =	wrdreg $0xFFFFFFFF  }
0xc3: {  	_ =	task.clear_ibuf [dreg:s8], $0x2FFFF;
	_ =	strace $0x9FFFFFFF  }
0xc4: {  	(tm) =	ssettm $0x7FFFFFFF  }
0xc5: {  	_ =	shalt  }
tec
execute0_lowered:
.L_overlay_start_1:
0x0: {  	(tag) =	ssettag $0x1  }
0x1: {  	s1 =	rddreg [dreg:$0x0]  }
0x2: {  	s0 =	rddreg [dreg:$0x1]  }
0x3: {  	s2 =	rddreg [dreg:$0x2]  }
0x4: {  	s3 =	simm.s32 $0x0;
	s4 =	srdreg.scid;
	s5 =	stileid.u32  }
0x5: {  	s18 =	simm.s32 $0x1;
	s20 =	simm.s32 $0xA00;
	s21 =	simm.s32 $0x1200  }
0x6: {  	s22 =	simm.s32 $0x1A00;
	s23 =	simm.s32 $0x2200;
	s24 =	simm.s32 $0x2A00  }
0x7: {  	s28 =	simm.s32 $0x4200;
	s29 =	simm.s32 $0x4A00;
	s30 =	simm.s32 $0x5200  }
0x8: {  	s31 =	simm.s32 $0x5A00;
	s10 =	simm.s32 $0x7200;
	s11 =	simm.s32 $0x7A00  }
0x9: {  	s12 =	simm.s32 $0x8200;
	s13 =	simm.s32 $0x8A00;
	s14 =	simm.s32 $0x9200  }
0xa: {  	s15 =	simm.s32 $0x9A00;
	s16 =	simm.s32 $0xA200;
	s17 =	simm.s32 $0xAA00  }
0xb: {  	[smem:$0x7FF] =	sst s3;
	s4 =	sand.u32 $0x1, s4;
	s5 =	sshll.u32 s5, $0x1  }
0xc: {  	s9 =	simm.s32 $0xB200;
	_ =	strace $0x8000004A;
	s5 =	sor.u32 s4, s5  }
0xd: {  	s4 =	ssub.s32 $0x2, s4;
	s6 =	sshll.u32 s5, $0x6;
	s7 =	smul.u32 $0x30000, s5  }
0xe: {  	s8 =	sshrl.u32 s4, $0x1;
	s5 =	smul.u32 $0x6000, s5;
	s0 =	sadd.s32 s0, s6  }
0xf: {  	s8 =	ssub.s32 s4, s8;
	s4 =	sadd.s32 $0x100, s1;
	s6 =	sadd.s32 $0x300, s1  }
0x10: {  	[dreg:$0x4] =	wrdreg s0;
	s25 =	sshrl.u32 s7, $0x3;
	s26 =	sadd.s32 s2, s5  }
0x11: {  	s5 =	sadd.s32 $0x200, s1;
	s7 =	smax.u32 s8, $0x1;
	s0 =	sadd.s32 s2, s25  }
0x12: {  	v2 =	vlaneseq.u32;
	s8 =	simm.s32 $0x2;
	[dreg:$0x5] =	wrdreg s26;
	s2 =	sadd.s32 $0x2000, s0  }
0x13: {  	vm0 =	vmmov $0xffff;
	v1 =	vshrl.u32 v2, $0x3;
	s25 =	simm.s32 $0x3200;
	s0 =	sadd.s32 $0x4000, s0;
	[dreg:$0x6] =	wrdreg s2  }
0x14: {  	v0 =	vand.u32 $0x7, v2;
	v2 =	vor.u32 $0x8, v2;
	v1 =	vmul.u32 $0x8, v1;
	s26 =	simm.s32 $0x3A00;
	[dreg:$0x7] =	wrdreg s0;
	s0 =	simm.s32 $0x200  }
.LBB2_1:
0x15: {  	s19 =	rddreg [dreg:$0x4]  }
0x16: {  	[tilespmem:s3], [sflag:$0x2] =	stream.linear.gather [hbm4b:s19+s3], $0x180, $0x38;
	[tilespmem:$0x10200] =	vst v63  }
0x17: {  	_ =	swait.ge [sflag:s8], $0x180  }
0x18: {  	[sflag:s8] =	ssyncset.done $0x0  }
0x19: {  	[sflag:s8] =	ssyncadd.s32 $0xFFFFFE80  }
0x1a: {  	v3 =	vld [tilespmem:$0x0];
	_ =	sdelay $0x4  }
0x1b: {  	v4 =	vshll.u32 v3, $0x3  }
0x1c: {  	v3 =	vand.u32 $0x7, v3;
	v4 =	vand.u32 $0xFFFFFFC0, v4  }
0x1d: {  	v3 =	vor.u32 v3, v4  }
0x1e: {  	v4 =	vperm.xlane v3, v0;
	_ =	sdelay $0x1  }
0x1f: {  	v4 =	vadd.s32 v1, v4;
	_ =	sdelay $0x4  }
0x20: {  	[tilespmem:s0], [sflag:$0x1] =	stream.indirect_vreg.gather [hbm4b:s1+s3], $0x80, v4, vm0, $0xb8;
	[tilespmem:$0x10200] =	vst v63  }
0x21: {  	v3 =	vperm.xlane v3, v2  }
0x22: {  	[tilespmem:s20], [sflag:$0x1] =	stream.indirect_vreg.gather [hbm4b:s4+s3], $0x80, v4, vm0, $0xb8;
	[tilespmem:$0x10200] =	vst v63  }
0x23: {  	v3 =	vadd.s32 v1, v3  }
0x24: {  	[tilespmem:s21], [sflag:$0x1] =	stream.indirect_vreg.gather [hbm4b:s5+s3], $0x80, v4, vm0, $0xb8;
	[tilespmem:$0x10200] =	vst v63  }
0x25: {  	_ = 	snop  }
0x26: {  	[tilespmem:s22], [sflag:$0x1] =	stream.indirect_vreg.gather [hbm4b:s6+s3], $0x80, v4, vm0, $0xb8;
	[tilespmem:$0x10200] =	vst v63  }
0x27: {  	_ = 	snop  }
0x28: {  	[tilespmem:s23], [sflag:$0x1] =	stream.indirect_vreg.gather [hbm4b:s1+s3], $0x80, v3, vm0, $0xb8;
	[tilespmem:$0x10200] =	vst v63  }
0x29: {  	_ = 	snop  }
0x2a: {  	[tilespmem:s24], [sflag:$0x1] =	stream.indirect_vreg.gather [hbm4b:s4+s3], $0x80, v3, vm0, $0xb8;
	[tilespmem:$0x10200] =	vst v63  }
0x2b: {  	_ = 	snop  }
0x2c: {  	[tilespmem:s25], [sflag:$0x1] =	stream.indirect_vreg.gather [hbm4b:s5+s3], $0x80, v3, vm0, $0xb8;
	[tilespmem:$0x10200] =	vst v63  }
0x2d: {  	_ = 	snop  }
0x2e: {  	[tilespmem:s26], [sflag:$0x1] =	stream.indirect_vreg.gather [hbm4b:s6+s3], $0x80, v3, vm0, $0xb8;
	[tilespmem:$0x10200] =	vst v63  }
0x2f: {  	v3 =	vld [tilespmem:$0x10];
	_ =	sdelay $0x4  }
0x30: {  	v53 =	vshll.u32 v3, $0x3  }
0x31: {  	v3 =	vand.u32 $0x7, v3;
	v4 =	vand.u32 $0xFFFFFFC0, v53  }
0x32: {  	v3 =	vor.u32 v3, v4  }
0x33: {  	v4 =	vperm.xlane v3, v0;
	_ =	sdelay $0x1  }
0x34: {  	v4 =	vadd.s32 v1, v4;
	_ =	sdelay $0x4  }
0x35: {  	[tilespmem:s28], [sflag:$0x1] =	stream.indirect_vreg.gather [hbm4b:s1+s3], $0x80, v4, vm0, $0xb8;
	[tilespmem:$0x10200] =	vst v63  }
0x36: {  	v3 =	vperm.xlane v3, v2  }
0x37: {  	[tilespmem:s29], [sflag:$0x1] =	stream.indirect_vreg.gather [hbm4b:s4+s3], $0x80, v4, vm0, $0xb8;
	[tilespmem:$0x10200] =	vst v63  }
0x38: {  	v3 =	vadd.s32 v1, v3  }
0x39: {  	[tilespmem:s30], [sflag:$0x1] =	stream.indirect_vreg.gather [hbm4b:s5+s3], $0x80, v4, vm0, $0xb8;
	[tilespmem:$0x10200] =	vst v63  }
0x3a: {  	_ = 	snop  }
0x3b: {  	[tilespmem:s31], [sflag:$0x1] =	stream.indirect_vreg.gather [hbm4b:s6+s3], $0x80, v4, vm0, $0xb8;
	[tilespmem:$0x10200] =	vst v63  }
0x3c: {  	s2 =	simm.s32 $0x6200  }
0x3d: {  	[tilespmem:s2], [sflag:$0x1] =	stream.indirect_vreg.gather [hbm4b:s1+s3], $0x80, v3, vm0, $0xb8;
	[tilespmem:$0x10200] =	vst v63  }
0x3e: {  	s2 =	simm.s32 $0x6A00  }
0x3f: {  	[tilespmem:s2], [sflag:$0x1] =	stream.indirect_vreg.gather [hbm4b:s4+s3], $0x80, v3, vm0, $0xb8;
	[tilespmem:$0x10200] =	vst v63  }
0x40: {  	_ = 	snop  }
0x41: {  	[tilespmem:s10], [sflag:$0x1] =	stream.indirect_vreg.gather [hbm4b:s5+s3], $0x80, v3, vm0, $0xb8;
	[tilespmem:$0x10200] =	vst v63  }
0x42: {  	_ = 	snop  }
0x43: {  	[tilespmem:s11], [sflag:$0x1] =	stream.indirect_vreg.gather [hbm4b:s6+s3], $0x80, v3, vm0, $0xb8;
	[tilespmem:$0x10200] =	vst v63  }
0x44: {  	v3 =	vld [tilespmem:$0x20];
	_ =	sdelay $0x4  }
0x45: {  	v54 =	vshll.u32 v3, $0x3  }
0x46: {  	v3 =	vand.u32 $0x7, v3;
	v4 =	vand.u32 $0xFFFFFFC0, v54  }
0x47: {  	v3 =	vor.u32 v3, v4  }
0x48: {  	v4 =	vperm.xlane v3, v0;
	_ =	sdelay $0x1  }
0x49: {  	v4 =	vadd.s32 v1, v4;
	_ =	sdelay $0x4  }
0x4a: {  	[tilespmem:s12], [sflag:$0x1] =	stream.indirect_vreg.gather [hbm4b:s1+s3], $0x80, v4, vm0, $0xb8;
	[tilespmem:$0x10200] =	vst v63  }
0x4b: {  	v3 =	vperm.xlane v3, v2  }
0x4c: {  	[tilespmem:s13], [sflag:$0x1] =	stream.indirect_vreg.gather [hbm4b:s4+s3], $0x80, v4, vm0, $0xb8;
	[tilespmem:$0x10200] =	vst v63  }
0x4d: {  	v3 =	vadd.s32 v1, v3  }
0x4e: {  	[tilespmem:s14], [sflag:$0x1] =	stream.indirect_vreg.gather [hbm4b:s5+s3], $0x80, v4, vm0, $0xb8;
	[tilespmem:$0x10200] =	vst v63  }
0x4f: {  	_ = 	snop  }
0x50: {  	[tilespmem:s15], [sflag:$0x1] =	stream.indirect_vreg.gather [hbm4b:s6+s3], $0x80, v4, vm0, $0xb8;
	[tilespmem:$0x10200] =	vst v63  }
0x51: {  	_ = 	snop  }
0x52: {  	[tilespmem:s16], [sflag:$0x1] =	stream.indirect_vreg.gather [hbm4b:s1+s3], $0x80, v3, vm0, $0xb8;
	[tilespmem:$0x10200] =	vst v63  }
0x53: {  	_ = 	snop  }
0x54: {  	[tilespmem:s17], [sflag:$0x1] =	stream.indirect_vreg.gather [hbm4b:s4+s3], $0x80, v3, vm0, $0xb8;
	[tilespmem:$0x10200] =	vst v63  }
0x55: {  	_ = 	snop  }
0x56: {  	[tilespmem:s9], [sflag:$0x1] =	stream.indirect_vreg.gather [hbm4b:s5+s3], $0x80, v3, vm0, $0xb8;
	[tilespmem:$0x10200] =	vst v63  }
0x57: {  	s19 =	simm.s32 $0xBA00  }
0x58: {  	[tilespmem:s19], [sflag:$0x1] =	stream.indirect_vreg.gather [hbm4b:s6+s3], $0x80, v3, vm0, $0xb8;
	[tilespmem:$0x10200] =	vst v63  }
0x59: {  	v3 =	vld [tilespmem:$0x30];
	_ =	sdelay $0x4  }
0x5a: {  	v55 =	vshll.u32 v3, $0x3  }
0x5b: {  	v3 =	vand.u32 $0x7, v3;
	v4 =	vand.u32 $0xFFFFFFC0, v55  }
0x5c: {  	v3 =	vor.u32 v3, v4  }
0x5d: {  	v4 =	vperm.xlane v3, v0;
	_ =	sdelay $0x1  }
0x5e: {  	v4 =	vadd.s32 v1, v4;
	_ =	sdelay $0x3  }
0x5f: {  	s19 =	simm.s32 $0xC200  }
0x60: {  	[tilespmem:s19], [sflag:$0x1] =	stream.indirect_vreg.gather [hbm4b:s1+s3], $0x80, v4, vm0, $0xb8;
	[tilespmem:$0x10200] =	vst v63  }
0x61: {  	v3 =	vperm.xlane v3, v2;
	s19 =	simm.s32 $0xCA00  }
0x62: {  	[tilespmem:s19], [sflag:$0x1] =	stream.indirect_vreg.gather [hbm4b:s4+s3], $0x80, v4, vm0, $0xb8;
	[tilespmem:$0x10200] =	vst v63  }
0x63: {  	v3 =	vadd.s32 v1, v3;
	s19 =	simm.s32 $0xD200  }
0x64: {  	[tilespmem:s19], [sflag:$0x1] =	stream.indirect_vreg.gather [hbm4b:s5+s3], $0x80, v4, vm0, $0xb8;
	[tilespmem:$0x10200] =	vst v63  }
0x65: {  	s19 =	simm.s32 $0xDA00  }
0x66: {  	[tilespmem:s19], [sflag:$0x1] =	stream.indirect_vreg.gather [hbm4b:s6+s3], $0x80, v4, vm0, $0xb8;
	[tilespmem:$0x10200] =	vst v63  }
0x67: {  	s19 =	simm.s32 $0xE200  }
0x68: {  	[tilespmem:s19], [sflag:$0x1] =	stream.indirect_vreg.gather [hbm4b:s1+s3], $0x80, v3, vm0, $0xb8;
	[tilespmem:$0x10200] =	vst v63  }
0x69: {  	s19 =	simm.s32 $0xEA00  }
0x6a: {  	[tilespmem:s19], [sflag:$0x1] =	stream.indirect_vreg.gather [hbm4b:s4+s3], $0x80, v3, vm0, $0xb8;
	[tilespmem:$0x10200] =	vst v63  }
0x6b: {  	s19 =	simm.s32 $0xF200  }
0x6c: {  	[tilespmem:s19], [sflag:$0x1] =	stream.indirect_vreg.gather [hbm4b:s5+s3], $0x80, v3, vm0, $0xb8;
	[tilespmem:$0x10200] =	vst v63  }
0x6d: {  	s19 =	simm.s32 $0xFA00  }
0x6e: {  	[tilespmem:s19], [sflag:$0x1] =	stream.indirect_vreg.gather [hbm4b:s6+s3], $0x80, v3, vm0, $0xb8;
	[tilespmem:$0x10200] =	vst v63  }
0x6f: {  	_ =	swait.ge [sflag:s18], $0x10000  }
0x70: {  	[sflag:s18] =	ssyncset.done $0x0  }
0x71: {  	s19 =	rddreg [dreg:$0x5];
	[sflag:s18] =	ssyncadd.s32 $0xFFFF0000  }
0x72: {  	[hbm4b:s19+s3] =	stream.linear.scatter [tilespmem:s0], [sflag:$0x2], $0x10000, $0x38;
	[tilespmem:$0x10200] =	vst v63  }
0x73: {  	_ =	swait.ge [sflag:s8], $0x10000  }
0x74: {  	[sflag:s8] =	ssyncset.done $0x0  }
0x75: {  	[sflag:s8] =	ssyncadd.s32 $0xFFFF0000  }
0x76: {  	v3 =	vld [tilespmem:$0x80];
	_ =	sdelay $0x4  }
0x77: {  	v56 =	vshll.u32 v3, $0x3  }
0x78: {  	v3 =	vand.u32 $0x7, v3;
	v4 =	vand.u32 $0xFFFFFFC0, v56  }
0x79: {  	v3 =	vor.u32 v3, v4  }
0x7a: {  	v4 =	vperm.xlane v3, v0;
	_ =	sdelay $0x1  }
0x7b: {  	v4 =	vadd.s32 v1, v4;
	_ =	sdelay $0x4  }
0x7c: {  	[tilespmem:s0], [sflag:$0x1] =	stream.indirect_vreg.gather [hbm4b:s1+s3], $0x80, v4, vm0, $0xb8;
	[tilespmem:$0x10200] =	vst v63  }
0x7d: {  	v3 =	vperm.xlane v3, v2  }
0x7e: {  	[tilespmem:s20], [sflag:$0x1] =	stream.indirect_vreg.gather [hbm4b:s4+s3], $0x80, v4, vm0, $0xb8;
	[tilespmem:$0x10200] =	vst v63  }
0x7f: {  	v3 =	vadd.s32 v1, v3  }
0x80: {  	[tilespmem:s21], [sflag:$0x1] =	stream.indirect_vreg.gather [hbm4b:s5+s3], $0x80, v4, vm0, $0xb8;
	[tilespmem:$0x10200] =	vst v63  }
0x81: {  	_ = 	snop  }
0x82: {  	[tilespmem:s22], [sflag:$0x1] =	stream.indirect_vreg.gather [hbm4b:s6+s3], $0x80, v4, vm0, $0xb8;
	[tilespmem:$0x10200] =	vst v63  }
0x83: {  	_ = 	snop  }
0x84: {  	[tilespmem:s23], [sflag:$0x1] =	stream.indirect_vreg.gather [hbm4b:s1+s3], $0x80, v3, vm0, $0xb8;
	[tilespmem:$0x10200] =	vst v63  }
0x85: {  	_ = 	snop  }
0x86: {  	[tilespmem:s24], [sflag:$0x1] =	stream.indirect_vreg.gather [hbm4b:s4+s3], $0x80, v3, vm0, $0xb8;
	[tilespmem:$0x10200] =	vst v63  }
0x87: {  	_ = 	snop  }
0x88: {  	[tilespmem:s25], [sflag:$0x1] =	stream.indirect_vreg.gather [hbm4b:s5+s3], $0x80, v3, vm0, $0xb8;
	[tilespmem:$0x10200] =	vst v63  }
0x89: {  	_ = 	snop  }
0x8a: {  	[tilespmem:s26], [sflag:$0x1] =	stream.indirect_vreg.gather [hbm4b:s6+s3], $0x80, v3, vm0, $0xb8;
	[tilespmem:$0x10200] =	vst v63  }
0x8b: {  	v3 =	vld [tilespmem:$0x90];
	_ =	sdelay $0x4  }
0x8c: {  	v57 =	vshll.u32 v3, $0x3  }
0x8d: {  	v3 =	vand.u32 $0x7, v3;
	v4 =	vand.u32 $0xFFFFFFC0, v57  }
0x8e: {  	v3 =	vor.u32 v3, v4  }
0x8f: {  	v4 =	vperm.xlane v3, v0;
	_ =	sdelay $0x1  }
0x90: {  	v4 =	vadd.s32 v1, v4;
	_ =	sdelay $0x4  }
0x91: {  	[tilespmem:s28], [sflag:$0x1] =	stream.indirect_vreg.gather [hbm4b:s1+s3], $0x80, v4, vm0, $0xb8;
	[tilespmem:$0x10200] =	vst v63  }
0x92: {  	v3 =	vperm.xlane v3, v2  }
0x93: {  	[tilespmem:s29], [sflag:$0x1] =	stream.indirect_vreg.gather [hbm4b:s4+s3], $0x80, v4, vm0, $0xb8;
	[tilespmem:$0x10200] =	vst v63  }
0x94: {  	v3 =	vadd.s32 v1, v3  }
0x95: {  	[tilespmem:s30], [sflag:$0x1] =	stream.indirect_vreg.gather [hbm4b:s5+s3], $0x80, v4, vm0, $0xb8;
	[tilespmem:$0x10200] =	vst v63  }
0x96: {  	_ = 	snop  }
0x97: {  	[tilespmem:s31], [sflag:$0x1] =	stream.indirect_vreg.gather [hbm4b:s6+s3], $0x80, v4, vm0, $0xb8;
	[tilespmem:$0x10200] =	vst v63  }
0x98: {  	s19 =	simm.s32 $0x6200  }
0x99: {  	[tilespmem:s19], [sflag:$0x1] =	stream.indirect_vreg.gather [hbm4b:s1+s3], $0x80, v3, vm0, $0xb8;
	[tilespmem:$0x10200] =	vst v63  }
0x9a: {  	_ = 	snop  }
0x9b: {  	[tilespmem:s2], [sflag:$0x1] =	stream.indirect_vreg.gather [hbm4b:s4+s3], $0x80, v3, vm0, $0xb8;
	[tilespmem:$0x10200] =	vst v63  }
0x9c: {  	_ = 	snop  }
0x9d: {  	[tilespmem:s10], [sflag:$0x1] =	stream.indirect_vreg.gather [hbm4b:s5+s3], $0x80, v3, vm0, $0xb8;
	[tilespmem:$0x10200] =	vst v63  }
0x9e: {  	_ = 	snop  }
0x9f: {  	[tilespmem:s11], [sflag:$0x1] =	stream.indirect_vreg.gather [hbm4b:s6+s3], $0x80, v3, vm0, $0xb8;
	[tilespmem:$0x10200] =	vst v63  }
0xa0: {  	v3 =	vld [tilespmem:$0xA0];
	_ =	sdelay $0x4  }
0xa1: {  	v58 =	vshll.u32 v3, $0x3  }
0xa2: {  	v3 =	vand.u32 $0x7, v3;
	v4 =	vand.u32 $0xFFFFFFC0, v58  }
0xa3: {  	v3 =	vor.u32 v3, v4  }
0xa4: {  	v4 =	vperm.xlane v3, v0;
	_ =	sdelay $0x1  }
0xa5: {  	v4 =	vadd.s32 v1, v4;
	_ =	sdelay $0x4  }
0xa6: {  	[tilespmem:s12], [sflag:$0x1] =	stream.indirect_vreg.gather [hbm4b:s1+s3], $0x80, v4, vm0, $0xb8;
	[tilespmem:$0x10200] =	vst v63  }
0xa7: {  	v3 =	vperm.xlane v3, v2  }
0xa8: {  	[tilespmem:s13], [sflag:$0x1] =	stream.indirect_vreg.gather [hbm4b:s4+s3], $0x80, v4, vm0, $0xb8;
	[tilespmem:$0x10200] =	vst v63  }
0xa9: {  	v3 =	vadd.s32 v1, v3  }
0xaa: {  	[tilespmem:s14], [sflag:$0x1] =	stream.indirect_vreg.gather [hbm4b:s5+s3], $0x80, v4, vm0, $0xb8;
	[tilespmem:$0x10200] =	vst v63  }
0xab: {  	_ = 	snop  }
0xac: {  	[tilespmem:s15], [sflag:$0x1] =	stream.indirect_vreg.gather [hbm4b:s6+s3], $0x80, v4, vm0, $0xb8;
	[tilespmem:$0x10200] =	vst v63  }
0xad: {  	_ = 	snop  }
0xae: {  	[tilespmem:s16], [sflag:$0x1] =	stream.indirect_vreg.gather [hbm4b:s1+s3], $0x80, v3, vm0, $0xb8;
	[tilespmem:$0x10200] =	vst v63  }
0xaf: {  	_ = 	snop  }
0xb0: {  	[tilespmem:s17], [sflag:$0x1] =	stream.indirect_vreg.gather [hbm4b:s4+s3], $0x80, v3, vm0, $0xb8;
	[tilespmem:$0x10200] =	vst v63  }
0xb1: {  	_ = 	snop  }
0xb2: {  	[tilespmem:s9], [sflag:$0x1] =	stream.indirect_vreg.gather [hbm4b:s5+s3], $0x80, v3, vm0, $0xb8;
	[tilespmem:$0x10200] =	vst v63  }
0xb3: {  	s19 =	simm.s32 $0xBA00  }
0xb4: {  	[tilespmem:s19], [sflag:$0x1] =	stream.indirect_vreg.gather [hbm4b:s6+s3], $0x80, v3, vm0, $0xb8;
	[tilespmem:$0x10200] =	vst v63  }
0xb5: {  	v3 =	vld [tilespmem:$0xB0];
	_ =	sdelay $0x4  }
0xb6: {  	v59 =	vshll.u32 v3, $0x3  }
0xb7: {  	v3 =	vand.u32 $0x7, v3;
	v4 =	vand.u32 $0xFFFFFFC0, v59  }
0xb8: {  	v3 =	vor.u32 v3, v4  }
0xb9: {  	v4 =	vperm.xlane v3, v0;
	_ =	sdelay $0x1  }
0xba: {  	v4 =	vadd.s32 v1, v4;
	_ =	sdelay $0x3  }
0xbb: {  	s19 =	simm.s32 $0xC200  }
0xbc: {  	[tilespmem:s19], [sflag:$0x1] =	stream.indirect_vreg.gather [hbm4b:s1+s3], $0x80, v4, vm0, $0xb8;
	[tilespmem:$0x10200] =	vst v63  }
0xbd: {  	v3 =	vperm.xlane v3, v2;
	s19 =	simm.s32 $0xCA00  }
0xbe: {  	[tilespmem:s19], [sflag:$0x1] =	stream.indirect_vreg.gather [hbm4b:s4+s3], $0x80, v4, vm0, $0xb8;
	[tilespmem:$0x10200] =	vst v63  }
0xbf: {  	v3 =	vadd.s32 v1, v3;
	s19 =	simm.s32 $0xD200  }
0xc0: {  	[tilespmem:s19], [sflag:$0x1] =	stream.indirect_vreg.gather [hbm4b:s5+s3], $0x80, v4, vm0, $0xb8;
	[tilespmem:$0x10200] =	vst v63  }
0xc1: {  	s19 =	simm.s32 $0xDA00  }
0xc2: {  	[tilespmem:s19], [sflag:$0x1] =	stream.indirect_vreg.gather [hbm4b:s6+s3], $0x80, v4, vm0, $0xb8;
	[tilespmem:$0x10200] =	vst v63  }
0xc3: {  	s19 =	simm.s32 $0xE200  }
0xc4: {  	[tilespmem:s19], [sflag:$0x1] =	stream.indirect_vreg.gather [hbm4b:s1+s3], $0x80, v3, vm0, $0xb8;
	[tilespmem:$0x10200] =	vst v63  }
0xc5: {  	s19 =	simm.s32 $0xEA00  }
0xc6: {  	[tilespmem:s19], [sflag:$0x1] =	stream.indirect_vreg.gather [hbm4b:s4+s3], $0x80, v3, vm0, $0xb8;
	[tilespmem:$0x10200] =	vst v63  }
0xc7: {  	s19 =	simm.s32 $0xF200  }
0xc8: {  	[tilespmem:s19], [sflag:$0x1] =	stream.indirect_vreg.gather [hbm4b:s5+s3], $0x80, v3, vm0, $0xb8;
	[tilespmem:$0x10200] =	vst v63  }
0xc9: {  	s19 =	simm.s32 $0xFA00  }
0xca: {  	[tilespmem:s19], [sflag:$0x1] =	stream.indirect_vreg.gather [hbm4b:s6+s3], $0x80, v3, vm0, $0xb8;
	[tilespmem:$0x10200] =	vst v63  }
0xcb: {  	_ =	swait.ge [sflag:s18], $0x10000  }
0xcc: {  	[sflag:s18] =	ssyncset.done $0x0  }
0xcd: {  	s19 =	rddreg [dreg:$0x6];
	[sflag:s18] =	ssyncadd.s32 $0xFFFF0000  }
0xce: {  	[hbm4b:s19+s3] =	stream.linear.scatter [tilespmem:s0], [sflag:$0x2], $0x10000, $0x38;
	[tilespmem:$0x10200] =	vst v63  }
0xcf: {  	_ =	swait.ge [sflag:s8], $0x10000  }
0xd0: {  	[sflag:s8] =	ssyncset.done $0x0  }
0xd1: {  	[sflag:s8] =	ssyncadd.s32 $0xFFFF0000  }
0xd2: {  	v3 =	vld [tilespmem:$0x100];
	_ =	sdelay $0x4  }
0xd3: {  	v60 =	vshll.u32 v3, $0x3  }
0xd4: {  	v3 =	vand.u32 $0x7, v3;
	v4 =	vand.u32 $0xFFFFFFC0, v60  }
0xd5: {  	v3 =	vor.u32 v3, v4  }
0xd6: {  	v4 =	vperm.xlane v3, v0;
	_ =	sdelay $0x1  }
0xd7: {  	v4 =	vadd.s32 v1, v4;
	_ =	sdelay $0x4  }
0xd8: {  	[tilespmem:s0], [sflag:$0x1] =	stream.indirect_vreg.gather [hbm4b:s1+s3], $0x80, v4, vm0, $0xb8;
	[tilespmem:$0x10200] =	vst v63  }
0xd9: {  	v3 =	vperm.xlane v3, v2  }
0xda: {  	[tilespmem:s20], [sflag:$0x1] =	stream.indirect_vreg.gather [hbm4b:s4+s3], $0x80, v4, vm0, $0xb8;
	[tilespmem:$0x10200] =	vst v63  }
0xdb: {  	v3 =	vadd.s32 v1, v3  }
0xdc: {  	[tilespmem:s21], [sflag:$0x1] =	stream.indirect_vreg.gather [hbm4b:s5+s3], $0x80, v4, vm0, $0xb8;
	[tilespmem:$0x10200] =	vst v63  }
0xdd: {  	_ = 	snop  }
0xde: {  	[tilespmem:s22], [sflag:$0x1] =	stream.indirect_vreg.gather [hbm4b:s6+s3], $0x80, v4, vm0, $0xb8;
	[tilespmem:$0x10200] =	vst v63  }
0xdf: {  	_ = 	snop  }
0xe0: {  	[tilespmem:s23], [sflag:$0x1] =	stream.indirect_vreg.gather [hbm4b:s1+s3], $0x80, v3, vm0, $0xb8;
	[tilespmem:$0x10200] =	vst v63  }
0xe1: {  	_ = 	snop  }
0xe2: {  	[tilespmem:s24], [sflag:$0x1] =	stream.indirect_vreg.gather [hbm4b:s4+s3], $0x80, v3, vm0, $0xb8;
	[tilespmem:$0x10200] =	vst v63  }
0xe3: {  	_ = 	snop  }
0xe4: {  	[tilespmem:s25], [sflag:$0x1] =	stream.indirect_vreg.gather [hbm4b:s5+s3], $0x80, v3, vm0, $0xb8;
	[tilespmem:$0x10200] =	vst v63  }
0xe5: {  	_ = 	snop  }
0xe6: {  	[tilespmem:s26], [sflag:$0x1] =	stream.indirect_vreg.gather [hbm4b:s6+s3], $0x80, v3, vm0, $0xb8;
	[tilespmem:$0x10200] =	vst v63  }
0xe7: {  	v3 =	vld [tilespmem:$0x110];
	_ =	sdelay $0x4  }
0xe8: {  	v61 =	vshll.u32 v3, $0x3  }
0xe9: {  	v3 =	vand.u32 $0x7, v3;
	v4 =	vand.u32 $0xFFFFFFC0, v61  }
0xea: {  	v3 =	vor.u32 v3, v4  }
0xeb: {  	v4 =	vperm.xlane v3, v0;
	_ =	sdelay $0x1  }
0xec: {  	v4 =	vadd.s32 v1, v4;
	_ =	sdelay $0x4  }
0xed: {  	[tilespmem:s28], [sflag:$0x1] =	stream.indirect_vreg.gather [hbm4b:s1+s3], $0x80, v4, vm0, $0xb8;
	[tilespmem:$0x10200] =	vst v63  }
0xee: {  	v3 =	vperm.xlane v3, v2  }
0xef: {  	[tilespmem:s29], [sflag:$0x1] =	stream.indirect_vreg.gather [hbm4b:s4+s3], $0x80, v4, vm0, $0xb8;
	[tilespmem:$0x10200] =	vst v63  }
0xf0: {  	v3 =	vadd.s32 v1, v3  }
0xf1: {  	[tilespmem:s30], [sflag:$0x1] =	stream.indirect_vreg.gather [hbm4b:s5+s3], $0x80, v4, vm0, $0xb8;
	[tilespmem:$0x10200] =	vst v63  }
0xf2: {  	_ = 	snop  }
0xf3: {  	[tilespmem:s31], [sflag:$0x1] =	stream.indirect_vreg.gather [hbm4b:s6+s3], $0x80, v4, vm0, $0xb8;
	[tilespmem:$0x10200] =	vst v63  }
0xf4: {  	s19 =	simm.s32 $0x6200  }
0xf5: {  	[tilespmem:s19], [sflag:$0x1] =	stream.indirect_vreg.gather [hbm4b:s1+s3], $0x80, v3, vm0, $0xb8;
	[tilespmem:$0x10200] =	vst v63  }
0xf6: {  	_ = 	snop  }
0xf7: {  	[tilespmem:s2], [sflag:$0x1] =	stream.indirect_vreg.gather [hbm4b:s4+s3], $0x80, v3, vm0, $0xb8;
	[tilespmem:$0x10200] =	vst v63  }
0xf8: {  	_ = 	snop  }
0xf9: {  	[tilespmem:s10], [sflag:$0x1] =	stream.indirect_vreg.gather [hbm4b:s5+s3], $0x80, v3, vm0, $0xb8;
	[tilespmem:$0x10200] =	vst v63  }
0xfa: {  	_ = 	snop  }
0xfb: {  	[tilespmem:s11], [sflag:$0x1] =	stream.indirect_vreg.gather [hbm4b:s6+s3], $0x80, v3, vm0, $0xb8;
	[tilespmem:$0x10200] =	vst v63  }
0xfc: {  	v3 =	vld [tilespmem:$0x120];
	_ =	sdelay $0x4  }
0xfd: {  	v62 =	vshll.u32 v3, $0x3  }
0xfe: {  	v3 =	vand.u32 $0x7, v3;
	v4 =	vand.u32 $0xFFFFFFC0, v62  }
0xff: {  	v3 =	vor.u32 v3, v4  }
0x100: {  	v4 =	vperm.xlane v3, v0;
	_ =	sdelay $0x1  }
0x101: {  	v4 =	vadd.s32 v1, v4;
	_ =	sdelay $0x4  }
0x102: {  	[tilespmem:s12], [sflag:$0x1] =	stream.indirect_vreg.gather [hbm4b:s1+s3], $0x80, v4, vm0, $0xb8;
	[tilespmem:$0x10200] =	vst v63  }
0x103: {  	v3 =	vperm.xlane v3, v2  }
0x104: {  	[tilespmem:s13], [sflag:$0x1] =	stream.indirect_vreg.gather [hbm4b:s4+s3], $0x80, v4, vm0, $0xb8;
	[tilespmem:$0x10200] =	vst v63  }
0x105: {  	v3 =	vadd.s32 v1, v3  }
0x106: {  	[tilespmem:s14], [sflag:$0x1] =	stream.indirect_vreg.gather [hbm4b:s5+s3], $0x80, v4, vm0, $0xb8;
	[tilespmem:$0x10200] =	vst v63  }
0x107: {  	_ = 	snop  }
0x108: {  	[tilespmem:s15], [sflag:$0x1] =	stream.indirect_vreg.gather [hbm4b:s6+s3], $0x80, v4, vm0, $0xb8;
	[tilespmem:$0x10200] =	vst v63  }
0x109: {  	_ = 	snop  }
0x10a: {  	[tilespmem:s16], [sflag:$0x1] =	stream.indirect_vreg.gather [hbm4b:s1+s3], $0x80, v3, vm0, $0xb8;
	[tilespmem:$0x10200] =	vst v63  }
0x10b: {  	_ = 	snop  }
0x10c: {  	[tilespmem:s17], [sflag:$0x1] =	stream.indirect_vreg.gather [hbm4b:s4+s3], $0x80, v3, vm0, $0xb8;
	[tilespmem:$0x10200] =	vst v63  }
0x10d: {  	_ = 	snop  }
0x10e: {  	[tilespmem:s9], [sflag:$0x1] =	stream.indirect_vreg.gather [hbm4b:s5+s3], $0x80, v3, vm0, $0xb8;
	[tilespmem:$0x10200] =	vst v63  }
0x10f: {  	s19 =	simm.s32 $0xBA00  }
0x110: {  	[tilespmem:s19], [sflag:$0x1] =	stream.indirect_vreg.gather [hbm4b:s6+s3], $0x80, v3, vm0, $0xb8;
	[tilespmem:$0x10200] =	vst v63  }
0x111: {  	v3 =	vld [tilespmem:$0x130];
	_ =	sdelay $0x4  }
0x112: {  	v63 =	vshll.u32 v3, $0x3  }
0x113: {  	v3 =	vand.u32 $0x7, v3;
	v4 =	vand.u32 $0xFFFFFFC0, v63  }
0x114: {  	v3 =	vor.u32 v3, v4  }
0x115: {  	v4 =	vperm.xlane v3, v0;
	_ =	sdelay $0x1  }
0x116: {  	v4 =	vadd.s32 v1, v4;
	_ =	sdelay $0x3  }
0x117: {  	s19 =	simm.s32 $0xC200  }
0x118: {  	[tilespmem:s19], [sflag:$0x1] =	stream.indirect_vreg.gather [hbm4b:s1+s3], $0x80, v4, vm0, $0xb8;
	[tilespmem:$0x10200] =	vst v63  }
0x119: {  	v3 =	vperm.xlane v3, v2;
	s19 =	simm.s32 $0xCA00  }
0x11a: {  	[tilespmem:s19], [sflag:$0x1] =	stream.indirect_vreg.gather [hbm4b:s4+s3], $0x80, v4, vm0, $0xb8;
	[tilespmem:$0x10200] =	vst v63  }
0x11b: {  	v3 =	vadd.s32 v1, v3;
	s19 =	simm.s32 $0xD200  }
0x11c: {  	[tilespmem:s19], [sflag:$0x1] =	stream.indirect_vreg.gather [hbm4b:s5+s3], $0x80, v4, vm0, $0xb8;
	[tilespmem:$0x10200] =	vst v63  }
0x11d: {  	s19 =	simm.s32 $0xDA00  }
0x11e: {  	[tilespmem:s19], [sflag:$0x1] =	stream.indirect_vreg.gather [hbm4b:s6+s3], $0x80, v4, vm0, $0xb8;
	[tilespmem:$0x10200] =	vst v63  }
0x11f: {  	s19 =	simm.s32 $0xE200  }
0x120: {  	[tilespmem:s19], [sflag:$0x1] =	stream.indirect_vreg.gather [hbm4b:s1+s3], $0x80, v3, vm0, $0xb8;
	[tilespmem:$0x10200] =	vst v63  }
0x121: {  	s19 =	simm.s32 $0xEA00  }
0x122: {  	[tilespmem:s19], [sflag:$0x1] =	stream.indirect_vreg.gather [hbm4b:s4+s3], $0x80, v3, vm0, $0xb8;
	[tilespmem:$0x10200] =	vst v63  }
0x123: {  	s19 =	simm.s32 $0xF200  }
0x124: {  	[tilespmem:s19], [sflag:$0x1] =	stream.indirect_vreg.gather [hbm4b:s5+s3], $0x80, v3, vm0, $0xb8;
	[tilespmem:$0x10200] =	vst v63  }
0x125: {  	s19 =	simm.s32 $0xFA00  }
0x126: {  	[tilespmem:s19], [sflag:$0x1] =	stream.indirect_vreg.gather [hbm4b:s6+s3], $0x80, v3, vm0, $0xb8;
	[tilespmem:$0x10200] =	vst v63  }
0x127: {  	_ =	swait.ge [sflag:s18], $0x10000  }
0x128: {  	p0 =	sne.s32 s7, $0x1;
	[sflag:s18] =	ssyncset.done $0x0  }
.Ltmp0:
0x129: {  	s2 =	rddreg [dreg:$0x7];
	[sflag:s18] =	ssyncadd.s32 $0xFFFF0000;
	(pc) =	sbr.rel @p0 .LBB2_1-.Ltmp0, $4  }
0x12a: {  	[hbm4b:s2+s3] =	stream.linear.scatter [tilespmem:s0], [sflag:$0x2], $0x10000, $0x38;
	[tilespmem:$0x10200] =	vst v63  }
0x12b: {  	_ =	swait.ge [sflag:s8], $0x10000  }
0x12c: {  	[sflag:s8] =	ssyncset.done $0x0  }
0x12d: {  	s7 =	sadd.s32 $0xFFFFFFFF, s7;
	[sflag:s8] =	ssyncadd.s32 $0xFFFF0000  }
0x12e: {  	_ =	sfence.sel $0x180000  }
0x12f: {  	[bflag:$0x0] =	sbarrier.arrive $0xFFFF  }
0x130: {  	_ =	strace $0x9000004A  }
0x131: {  	s0 =	stileid.u32;
	[bflag:$0x2] =	sbarrier.arrive $0xFFFF  }
0x132: {  	p0 =	sne.s32 s0, $0x0;
	s0 =	rddreg [dreg:$0x3]  }
0x133: {  	s0 =	sadd.s32 @!p0 $0x100000, s0  }
0x134: {  	[sflag:s0] =	ssyncadd.tile.s32 @!p0 $0x1;
	_ =	shalt  }
.Lfunc_end2:
_tile_overlayer_lowered:
.L_overlay_start_2:
0x135: {  	(tag) =	ssettag $0x2  }
0x136: {  	s0 =	rddreg [dreg:$0x0];
	s2 =	stileid.u32  }
0x137: {  	s1 =	rddreg [dreg:$0x1];
	p0 =	sne.s32 s2, $0x0  }
0x138: {  	s3 =	rddreg [dreg:$0x2];
	[bflag:$0x3] =	sbarrier.arrive $0xFFFF;
	s2 =	simm.s32 @!p0 $0x1C02  }
0x139: {  	[timem:s3], [sflag:s2] =	dma.local @!p0 [hbm:s0], s1  }
0x13a: {  	s0 =	simm.s32 @!p0 $0x2  }
0x13b: {  	_ =	swait.ge @!p0 [sflag:s0], s1  }
0x13c: {  	s1 =	ssub.s32 @!p0 $0x0, s1;
	[sflag:s0] =	ssyncset.done @!p0 $0x0  }
0x13d: {  	[sflag:s0] =	ssyncadd.s32 @!p0 s1  }
0x13e: {  	[bflag:$0x3] =	sbarrier.arrive $0xFFFF  }
0x13f: {  	_ =	shalt  }

// kernel: kernel.8.cloned.1.call-start
scs
__scs_entry_jumppad:
0x0: {  	(pc) =	sbr.rel $0x88, $3  }
0x1: {  	(tag) =	ssettag $0x0;
	lr =	simm.s32 $0x1  }
0x2: {  	[smem:$0x3F9A] =	sst lr;
	_ =	strace $0xD0000000  }
0x3: {  	_ = 	snop  }
0x4: {  	_ = 	snop  }
0x5: {  	_ = 	snop  }
0x6: {  	_ = 	snop  }
0x7: {  	_ = 	snop  }
__scs_overlays_trampoline_lowered:
0x8: {  	[smem:$0x3FA9] =	sst s0  }
0x9: {  	[smem:$0x3FAA] =	sst s1  }
0xa: {  	[smem:$0x3FAB] =	sst s2  }
0xb: {  	[smem:$0x3FAC] =	sst s3  }
0xc: {  	[smem:$0x3FAD] =	sst s4  }
0xd: {  	[smem:$0x3FAE] =	sst s5  }
0xe: {  	[smem:$0x3FAF] =	sst s6  }
0xf: {  	[smem:$0x3FB0] =	sst s7  }
0x10: {  	[smem:$0x3FB1] =	sst s8  }
0x11: {  	[smem:$0x3FB2] =	sst s9;
	s0 =	simm.s32 @!p0 $0x0  }
0x12: {  	s1 =	sld [smem:$0x3F98];
	s0 =	simm.s32 @p0 $0x1  }
0x13: {  	[smem:$0x3FB3] =	sst s0;
	s0 =	simm.s32 @!p1 $0x0  }
0x14: {  	s2 =	sld [smem:$0x3F97];
	s0 =	simm.s32 @p1 $0x1  }
0x15: {  	[smem:$0x3FB4] =	sst s0;
	s0 =	simm.s32 @!p2 $0x0  }
0x16: {  	s3 =	sld [smem:$0x3FDB];
	s0 =	simm.s32 @p2 $0x1  }
0x17: {  	s4 =	simm.s32 $0x1BF5;
	[smem:$0x3FB6] =	sst s0  }
0x18: {  	s0 =	sld [smem:$0x3F99];
	_ =	swait.ge [sflag:s4], $0x0  }
0x19: {  	s7 =	sld [smem:$0x3F9A]  }
0x1a: {  	s8 =	sadd.s32 $0xFFFFE003, lr  }
0x1b: {  	s9 =	sadd.s32 $0xFFFFFEF7, lr;
	s5 =	simm.s32 $0xFFFFFFFF;
	p2 =	slt.u32 s8, $0xFFFFF086  }
0x1c: {  	p1 =	slt.u32 s9, $0xF7A;
	s5 =	simm.s32 @!p2 $0x0  }
0x1d: {  	s5 =	simm.s32 @p1 $0x1;
	p0 =	seq.s32 s7, s2  }
0x1e: {  	s7 =	smul.u32 @!p0 $0xF7A, s2;
	p2 =	seq.s32 @!p0 s5, $0x0  }
0x1f: {  	s9 =	smul.u32 $0xF7A, s1;
	s8 =	simm.s32 @!p0 $0x1BF5;
	p2 =	por !p2, p0  }
0x20: {  	[sflag:s8] =	ssyncset.s32 @!p0 $0xFFFFF086;
	s6 =	sadd.s32 @!p0 s3, s7;
	s7 =	simm.s32 @!p0 $0x108  }
0x21: {  	s3 =	sadd.s32 s3, s9;
	s6 =	sadd.s32 @!p0 $0x88, s6;
	s7 =	simm.s32 @p2 $0x1082  }
0x22: {  	[simem:s7], [sflag:s8] =	dma.local @!p0 [hbm:s6], $0xF7A  }
0x23: {  	s9 =	sor.u32 $0xD0000000, s2;
	s6 =	simm.s32 $0x108;
	_ =	swait.ge @!p0 [sflag:s8], $0x0  }
0x24: {  	s3 =	sadd.s32 $0x88, s3;
	s6 =	simm.s32 @!p1 $0x1082;
	[sflag:s4] =	ssyncset.s32 $0xFFFFF086  }
0x25: {  	[simem:s6], [sflag:s4] =	dma.local [hbm:s3], $0xF7A  }
0x26: {  	[smem:$0x3F9A] =	sst s1;
	(tag) =	ssettag s2;
	_ =	strace s9  }
0x27: {  	s1 =	sld [smem:$0x3FAA]  }
0x28: {  	s2 =	sld [smem:$0x3FAB]  }
0x29: {  	s4 =	sld [smem:$0x3FAD]  }
0x2a: {  	p0 =	seq.s32 s5, $0x0;
	s5 =	sld [smem:$0x3FAE]  }
0x2b: {  	s6 =	sld [smem:$0x3FAF]  }
0x2c: {  	s7 =	sld [smem:$0x3FB0]  }
0x2d: {  	s3 =	simm.s32 $0x108;
	s8 =	sld [smem:$0x3FB1]  }
0x2e: {  	s3 =	simm.s32 @!p0 $0x1082;
	s9 =	sld [smem:$0x3FB2]  }
0x2f: {  	lr =	sadd.s32 s0, s3;
	s0 =	sld [smem:$0x3FA9]  }
0x30: {  	s3 =	sld [smem:$0x3FAC]  }
0x31: {  	[smem:$0x3FB5] =	sst s10  }
0x32: {  	s10 =	sld [smem:$0x3FB3];
	_ =	sdelay $0x3  }
0x33: {  	p0 =	seq.s32 s10, $0x1;
	s10 =	sld [smem:$0x3FB5];
	_ =	sdelay $0x3  }
0x34: {  	[smem:$0x3FB5] =	sst s10  }
0x35: {  	s10 =	sld [smem:$0x3FB4];
	_ =	sdelay $0x3  }
0x36: {  	p1 =	seq.s32 s10, $0x1;
	s10 =	sld [smem:$0x3FB5];
	_ =	sdelay $0x3  }
0x37: {  	[smem:$0x3FB5] =	sst s10  }
0x38: {  	s10 =	sld [smem:$0x3FB6]  }
0x39: {  	_ = 	snop;
	(pc) =	sbr.ind lr, $3  }
0x3a: {  	_ = 	snop  }
0x3b: {  	_ = 	snop  }
0x3c: {  	p2 =	seq.s32 s10, $0x1;
	s10 =	sld [smem:$0x3FB5]  }
0x3d: {  	_ =	shalt  }
0x3e: {  	_ =	shalt  }
0x3f: {  	_ =	shalt  }
0x40: {  	_ =	shalt  }
0x41: {  	_ =	shalt  }
0x42: {  	_ =	shalt  }
0x43: {  	_ =	shalt  }
0x44: {  	_ =	shalt  }
0x45: {  	_ =	shalt  }
0x46: {  	_ =	shalt  }
0x47: {  	_ =	shalt  }
0x48: {  	_ =	shalt  }
0x49: {  	_ =	shalt  }
0x4a: {  	_ =	shalt  }
0x4b: {  	_ =	shalt  }
0x4c: {  	_ =	shalt  }
0x4d: {  	_ =	shalt  }
0x4e: {  	_ =	shalt  }
0x4f: {  	_ =	shalt  }
0x50: {  	_ =	shalt  }
0x51: {  	_ =	shalt  }
0x52: {  	_ =	shalt  }
0x53: {  	_ =	shalt  }
0x54: {  	_ =	shalt  }
0x55: {  	_ =	shalt  }
0x56: {  	_ =	shalt  }
0x57: {  	_ =	shalt  }
0x58: {  	_ =	shalt  }
0x59: {  	_ =	shalt  }
0x5a: {  	_ =	shalt  }
0x5b: {  	_ =	shalt  }
0x5c: {  	_ =	shalt  }
0x5d: {  	_ =	shalt  }
0x5e: {  	_ =	shalt  }
0x5f: {  	_ =	shalt  }
0x60: {  	_ =	shalt  }
0x61: {  	_ =	shalt  }
0x62: {  	_ =	shalt  }
0x63: {  	_ =	shalt  }
0x64: {  	_ =	shalt  }
0x65: {  	_ =	shalt  }
0x66: {  	_ =	shalt  }
0x67: {  	_ =	shalt  }
0x68: {  	_ =	shalt  }
0x69: {  	_ =	shalt  }
0x6a: {  	_ =	shalt  }
0x6b: {  	_ =	shalt  }
0x6c: {  	_ =	shalt  }
0x6d: {  	_ =	shalt  }
0x6e: {  	_ =	shalt  }
0x6f: {  	_ =	shalt  }
0x70: {  	_ =	shalt  }
0x71: {  	_ =	shalt  }
0x72: {  	_ =	shalt  }
0x73: {  	_ =	shalt  }
0x74: {  	_ =	shalt  }
0x75: {  	_ =	shalt  }
0x76: {  	_ =	shalt  }
0x77: {  	_ =	shalt  }
0x78: {  	_ =	shalt  }
0x79: {  	_ =	shalt  }
0x7a: {  	_ =	shalt  }
0x7b: {  	_ =	shalt  }
0x7c: {  	_ =	shalt  }
0x7d: {  	_ =	shalt  }
0x7e: {  	_ =	shalt  }
0x7f: {  	_ =	shalt  }
0x80: {  	_ =	shalt  }
0x81: {  	_ =	shalt  }
0x82: {  	_ =	shalt  }
0x83: {  	_ =	shalt  }
0x84: {  	_ =	shalt  }
0x85: {  	_ =	shalt  }
0x86: {  	_ =	shalt  }
0x87: {  	_ =	shalt  }
.Lfunc_end0:
.L_simem_size_0:
called_computation.2_lowered:
.L_overlay_start_0:
0x88: {  	s2 =	sld [smem:$0x3FD9]  }
0x89: {  	s3 =	sld [smem:$0x3FFE];
	_ =	sdelay $0x1  }
0x8a: {  	s1 =	srdreg.scid  }
0x8b: {  	s0 =	sand.u32 $0x1, s1  }
0x8c: {  	s17 =	sshll.u32 s0, $0xA;
	s2 =	sadd.s32 s3, s2  }
0x8d: {  	s2 =	sadd.s32 s2, s17  }
0x8e: {  	[smem:$0x3FC1] =	sst s2  }
0x8f: {  	_ = 	snop  }
0x90: {  	s2 =	sld [smem:$0x3FD0];
	(tm) =	ssettm $0x1  }
0x91: {  	s18 =	sld [smem:$0x3FFB];
	_ =	sdelay $0x3  }
0x92: {  	_ =	strace s18  }
0x93: {  	s3 =	sld [smem:$0x3FFC];
	_ =	sdelay $0x3  }
0x94: {  	_ =	strace s3  }
0x95: {  	s3 =	sld [smem:$0x3FFD];
	_ =	sdelay $0x3  }
0x96: {  	_ =	strace s3  }
0x97: {  	_ =	strace $0x8FFFFFFF  }
0x98: {  	s19 =	sld [smem:$0x3FDB];
	_ =	sdelay $0x1  }
0x99: {  	s4 =	simm.s32 $_scs_section_size  }
0x9a: {  	s5 =	simm.s32 $_size__tile_overlayer_lowered;
	s6 =	simm.s32 $_tile_overlayer_lowered  }
0x9b: {  	s22 =	simm.s32 $0x1BFF;
	s21 =	sshll.u32 s6, $0x1;
	s3 =	sadd.s32 s4, s19  }
0x9c: {  	s7 =	simm.s32 $0x0;
	s20 =	sshll.u32 s5, $0x1;
	s5 =	sadd.s32 s21, s3  }
0x9d: {  	[timem:s7], [sflag:s22] =	dma.local [hbm:s5], s20  }
0x9e: {  	_ =	swait.ge [sflag:s22], s20  }
0x9f: {  	s4 =	ssub.s32 $0x0, s20;
	[sflag:s22] =	ssyncset.done $0x0  }
0xa0: {  	[sflag:s22] =	ssyncadd.s32 s4;
	_ =	sdelay $0x1  }
0xa1: {  	s23 =	simm.s32 $0x1B8B  }
0xa2: {  	_ =	swait.ge [sflag:s23], $0x1  }
0xa3: {  	[sflag:s23] =	ssyncset.done $0x0  }
0xa4: {  	s25 =	simm.s32 $0x1B8E;
	s24 =	sld [smem:$0x3FFE];
	[sflag:s23] =	ssyncadd.s32 $0xFFFFFFFF  }
0xa5: {  	s26 =	simm.s32 $execute0_lowered;
	[smem:$0x3FD2] =	sst s25  }
0xa6: {  	s5 =	sshll.u32 s26, $0x1;
	_ =	strace $0x8000004C;
	[dreg:$0x1] =	wrdreg $0xFFFFFFFF  }
0xa7: {  	s28 =	simm.s32 $_size_execute0_lowered;
	s3 =	sadd.s32 s3, s5;
	[dreg:$0x0] =	wrdreg $0x0  }
0xa8: {  	s5 =	sshll.u32 s28, $0x1;
	[dreg:$0x2] =	wrdreg s3  }
0xa9: {  	[dreg:$0x3] =	wrdreg s5  }
0xaa: {  	[dreg:$0x4] =	wrdreg $0xC0  }
0xab: {  	_ =	task [dreg:s7], $0x5FFFF  }
0xac: {  	[dreg:$0x1] =	wrdreg $0xFFFFFFFF  }
0xad: {  	[dreg:$0x0] =	wrdreg $0x60  }
0xae: {  	[dreg:$0x2] =	wrdreg s24  }
0xaf: {  	[dreg:$0x3] =	wrdreg s2  }
0xb0: {  	[dreg:$0x4] =	wrdreg $0x9  }
0xb1: {  	_ =	task.clear_ibuf [dreg:s7], $0x5FFFF;
	_ =	strace $0x9000004C  }
0xb2: {  	s29 =	simm.s32 $0x9;
	_ =	strace $0x8000004E  }
0xb3: {  	_ =	swait.ge [sflag:s29], $0x1  }
0xb4: {  	[sflag:s29] =	ssyncadd.s32 $0xFFFFFFFF  }
0xb5: {  	_ =	strace $0x9000004E  }
0xb6: {  	_ =	sfence  }
0xb7: {  	s30 =	sld [smem:$0x0];
	_ =	sdelay $0x2  }
0xb8: {  	s31 =	sshll.u32 s1, $0xD;
	s1 =	sshrl.u32 s1, $0x2  }
0xb9: {  	s3 =	sand.u32 $0x4000, s31;
	s1 =	sadd.s32 s1, s30  }
0xba: {  	s0 =	sor.u32 s3, s0;
	s1 =	sshll.u32 s1, $0x11  }
0xbb: {  	s0 =	sor.u32 s1, s0  }
0xbc: {  	s0 =	sadd.s32 $0x8F2B, s0  }
0xbd: {  	[sflag:s0] =	ssyncadd.remote.s32 $0x1  }
0xbe: {  	_ =	sfence.sel $0xFFFF  }
0xbf: {  	[dreg:$0x0] =	wrdreg $0xFFFFFFFF;
	(pc) =	sbr.abs _section_cstart, $3  }
0xc0: {  	[dreg:$0x1] =	wrdreg $0xFFFFFFFF  }
0xc1: {  	_ =	task.clear_ibuf [dreg:s7], $0x2FFFF;
	_ =	strace $0x9FFFFFFF  }
0xc2: {  	(tm) =	ssettm $0x7FFFFFFF  }
0xc3: {  	_ =	shalt  }
tec
execute0_lowered:
.L_overlay_start_1:
0x0: {  	(tag) =	ssettag $0x1  }
0x1: {  	s0 =	rddreg [dreg:$0x0]  }
0x2: {  	s1 =	rddreg [dreg:$0x1]  }
0x3: {  	s3 =	srdreg.scid;
	s4 =	stileid.u32;
	s2 =	simm.s32 $0x0  }
0x4: {  	s9 =	simm.s32 $0x2;
	s19 =	simm.s32 $0x1;
	s21 =	simm.s32 $0x900  }
0x5: {  	s22 =	simm.s32 $0x1100;
	s23 =	simm.s32 $0x1900;
	s24 =	simm.s32 $0x2100  }
0x6: {  	s28 =	simm.s32 $0x3900;
	s29 =	simm.s32 $0x4100;
	s30 =	simm.s32 $0x4900  }
0x7: {  	s31 =	simm.s32 $0x5100;
	s11 =	simm.s32 $0x6900;
	s12 =	simm.s32 $0x7100  }
0x8: {  	s13 =	simm.s32 $0x7900;
	s14 =	simm.s32 $0x8900;
	s15 =	simm.s32 $0x9100  }
0x9: {  	s16 =	simm.s32 $0x9900;
	s17 =	simm.s32 $0xA100;
	s18 =	simm.s32 $0xA900  }
0xa: {  	s3 =	sand.u32 $0x1, s3;
	s4 =	sshll.u32 s4, $0x1;
	[smem:$0x7FF] =	sst s2  }
0xb: {  	s10 =	simm.s32 $0xB100;
	s4 =	sor.u32 s3, s4;
	_ =	strace $0x8000004D  }
0xc: {  	s6 =	ssub.s32 $0x2, s3;
	s3 =	sadd.s32 $0xC0600, s0;
	s5 =	sshll.u32 s4, $0x5  }
0xd: {  	s7 =	sshrl.u32 s6, $0x1;
	s25 =	sshll.u32 s4, $0xE;
	s4 =	sadd.s32 $0xC0700, s0  }
0xe: {  	s5 =	sadd.s32 s5, s0;
	s8 =	ssub.s32 s6, s7;
	s1 =	sadd.s32 s1, s25  }
0xf: {  	s6 =	sadd.s32 $0xC0800, s0;
	s7 =	sadd.s32 $0xC0900, s0;
	s0 =	simm.s32 $0x100  }
0x10: {  	v2 =	vlaneseq.u32;
	s25 =	simm.s32 $0x2900;
	s5 =	sadd.s32 $0xC0200, s5;
	[dreg:$0x5] =	wrdreg s1  }
0x11: {  	vm0 =	vmmov $0xffff;
	v1 =	vshrl.u32 v2, $0x3;
	s26 =	sadd.s32 $0x2000, s1;
	s8 =	smax.u32 s8, $0x1;
	[dreg:$0x3] =	wrdreg s5  }
0x12: {  	v0 =	vand.u32 $0x7, v2;
	v2 =	vor.u32 $0x8, v2;
	v1 =	vmul.u32 $0x8, v1;
	[dreg:$0x4] =	wrdreg s26;
	s26 =	simm.s32 $0x3100;
	s5 =	simm.s32 $0x8100  }
.LBB2_1:
0x13: {  	s20 =	rddreg [dreg:$0x3]  }
0x14: {  	[tilespmem:s2], [sflag:$0x2] =	stream.linear.gather [hbm4b:s20+s2], $0x100, $0x38;
	[tilespmem:$0x10100] =	vst v63  }
0x15: {  	_ =	swait.ge [sflag:s9], $0x100  }
0x16: {  	[sflag:s9] =	ssyncset.done $0x0  }
0x17: {  	[sflag:s9] =	ssyncadd.s32 $0xFFFFFF00  }
0x18: {  	v3 =	vld [tilespmem:$0x0];
	_ =	sdelay $0x4  }
0x19: {  	v4 =	vshll.u32 v3, $0x3  }
0x1a: {  	v3 =	vand.u32 $0x7, v3;
	v4 =	vand.u32 $0xFFFFFFC0, v4  }
0x1b: {  	v3 =	vor.u32 v3, v4  }
0x1c: {  	v4 =	vperm.xlane v3, v0;
	_ =	sdelay $0x1  }
0x1d: {  	v4 =	vadd.s32 v1, v4;
	_ =	sdelay $0x4  }
0x1e: {  	[tilespmem:s0], [sflag:$0x1] =	stream.indirect_vreg.gather [hbm4b:s3+s2], $0x80, v4, vm0, $0xb8;
	[tilespmem:$0x10100] =	vst v63  }
0x1f: {  	v3 =	vperm.xlane v3, v2  }
0x20: {  	[tilespmem:s21], [sflag:$0x1] =	stream.indirect_vreg.gather [hbm4b:s4+s2], $0x80, v4, vm0, $0xb8;
	[tilespmem:$0x10100] =	vst v63  }
0x21: {  	v3 =	vadd.s32 v1, v3  }
0x22: {  	[tilespmem:s22], [sflag:$0x1] =	stream.indirect_vreg.gather [hbm4b:s6+s2], $0x80, v4, vm0, $0xb8;
	[tilespmem:$0x10100] =	vst v63  }
0x23: {  	_ = 	snop  }
0x24: {  	[tilespmem:s23], [sflag:$0x1] =	stream.indirect_vreg.gather [hbm4b:s7+s2], $0x80, v4, vm0, $0xb8;
	[tilespmem:$0x10100] =	vst v63  }
0x25: {  	_ = 	snop  }
0x26: {  	[tilespmem:s24], [sflag:$0x1] =	stream.indirect_vreg.gather [hbm4b:s3+s2], $0x80, v3, vm0, $0xb8;
	[tilespmem:$0x10100] =	vst v63  }
0x27: {  	_ = 	snop  }
0x28: {  	[tilespmem:s25], [sflag:$0x1] =	stream.indirect_vreg.gather [hbm4b:s4+s2], $0x80, v3, vm0, $0xb8;
	[tilespmem:$0x10100] =	vst v63  }
0x29: {  	_ = 	snop  }
0x2a: {  	[tilespmem:s26], [sflag:$0x1] =	stream.indirect_vreg.gather [hbm4b:s6+s2], $0x80, v3, vm0, $0xb8;
	[tilespmem:$0x10100] =	vst v63  }
0x2b: {  	_ = 	snop  }
0x2c: {  	[tilespmem:s28], [sflag:$0x1] =	stream.indirect_vreg.gather [hbm4b:s7+s2], $0x80, v3, vm0, $0xb8;
	[tilespmem:$0x10100] =	vst v63  }
0x2d: {  	v3 =	vld [tilespmem:$0x10];
	_ =	sdelay $0x4  }
0x2e: {  	v57 =	vshll.u32 v3, $0x3  }
0x2f: {  	v3 =	vand.u32 $0x7, v3;
	v4 =	vand.u32 $0xFFFFFFC0, v57  }
0x30: {  	v3 =	vor.u32 v3, v4  }
0x31: {  	v4 =	vperm.xlane v3, v0;
	_ =	sdelay $0x1  }
0x32: {  	v4 =	vadd.s32 v1, v4;
	_ =	sdelay $0x4  }
0x33: {  	[tilespmem:s29], [sflag:$0x1] =	stream.indirect_vreg.gather [hbm4b:s3+s2], $0x80, v4, vm0, $0xb8;
	[tilespmem:$0x10100] =	vst v63  }
0x34: {  	v3 =	vperm.xlane v3, v2  }
0x35: {  	[tilespmem:s30], [sflag:$0x1] =	stream.indirect_vreg.gather [hbm4b:s4+s2], $0x80, v4, vm0, $0xb8;
	[tilespmem:$0x10100] =	vst v63  }
0x36: {  	v3 =	vadd.s32 v1, v3  }
0x37: {  	[tilespmem:s31], [sflag:$0x1] =	stream.indirect_vreg.gather [hbm4b:s6+s2], $0x80, v4, vm0, $0xb8;
	[tilespmem:$0x10100] =	vst v63  }
0x38: {  	s1 =	simm.s32 $0x5900  }
0x39: {  	[tilespmem:s1], [sflag:$0x1] =	stream.indirect_vreg.gather [hbm4b:s7+s2], $0x80, v4, vm0, $0xb8;
	[tilespmem:$0x10100] =	vst v63  }
0x3a: {  	s1 =	simm.s32 $0x6100  }
0x3b: {  	[tilespmem:s1], [sflag:$0x1] =	stream.indirect_vreg.gather [hbm4b:s3+s2], $0x80, v3, vm0, $0xb8;
	[tilespmem:$0x10100] =	vst v63  }
0x3c: {  	_ = 	snop  }
0x3d: {  	[tilespmem:s11], [sflag:$0x1] =	stream.indirect_vreg.gather [hbm4b:s4+s2], $0x80, v3, vm0, $0xb8;
	[tilespmem:$0x10100] =	vst v63  }
0x3e: {  	_ = 	snop  }
0x3f: {  	[tilespmem:s12], [sflag:$0x1] =	stream.indirect_vreg.gather [hbm4b:s6+s2], $0x80, v3, vm0, $0xb8;
	[tilespmem:$0x10100] =	vst v63  }
0x40: {  	_ = 	snop  }
0x41: {  	[tilespmem:s13], [sflag:$0x1] =	stream.indirect_vreg.gather [hbm4b:s7+s2], $0x80, v3, vm0, $0xb8;
	[tilespmem:$0x10100] =	vst v63  }
0x42: {  	v3 =	vld [tilespmem:$0x20];
	_ =	sdelay $0x4  }
0x43: {  	v58 =	vshll.u32 v3, $0x3  }
0x44: {  	v3 =	vand.u32 $0x7, v3;
	v4 =	vand.u32 $0xFFFFFFC0, v58  }
0x45: {  	v3 =	vor.u32 v3, v4  }
0x46: {  	v4 =	vperm.xlane v3, v0;
	_ =	sdelay $0x1  }
0x47: {  	v4 =	vadd.s32 v1, v4;
	_ =	sdelay $0x4  }
0x48: {  	[tilespmem:s5], [sflag:$0x1] =	stream.indirect_vreg.gather [hbm4b:s3+s2], $0x80, v4, vm0, $0xb8;
	[tilespmem:$0x10100] =	vst v63  }
0x49: {  	v3 =	vperm.xlane v3, v2  }
0x4a: {  	[tilespmem:s14], [sflag:$0x1] =	stream.indirect_vreg.gather [hbm4b:s4+s2], $0x80, v4, vm0, $0xb8;
	[tilespmem:$0x10100] =	vst v63  }
0x4b: {  	v3 =	vadd.s32 v1, v3  }
0x4c: {  	[tilespmem:s15], [sflag:$0x1] =	stream.indirect_vreg.gather [hbm4b:s6+s2], $0x80, v4, vm0, $0xb8;
	[tilespmem:$0x10100] =	vst v63  }
0x4d: {  	_ = 	snop  }
0x4e: {  	[tilespmem:s16], [sflag:$0x1] =	stream.indirect_vreg.gather [hbm4b:s7+s2], $0x80, v4, vm0, $0xb8;
	[tilespmem:$0x10100] =	vst v63  }
0x4f: {  	_ = 	snop  }
0x50: {  	[tilespmem:s17], [sflag:$0x1] =	stream.indirect_vreg.gather [hbm4b:s3+s2], $0x80, v3, vm0, $0xb8;
	[tilespmem:$0x10100] =	vst v63  }
0x51: {  	_ = 	snop  }
0x52: {  	[tilespmem:s18], [sflag:$0x1] =	stream.indirect_vreg.gather [hbm4b:s4+s2], $0x80, v3, vm0, $0xb8;
	[tilespmem:$0x10100] =	vst v63  }
0x53: {  	_ = 	snop  }
0x54: {  	[tilespmem:s10], [sflag:$0x1] =	stream.indirect_vreg.gather [hbm4b:s6+s2], $0x80, v3, vm0, $0xb8;
	[tilespmem:$0x10100] =	vst v63  }
0x55: {  	s20 =	simm.s32 $0xB900  }
0x56: {  	[tilespmem:s20], [sflag:$0x1] =	stream.indirect_vreg.gather [hbm4b:s7+s2], $0x80, v3, vm0, $0xb8;
	[tilespmem:$0x10100] =	vst v63  }
0x57: {  	v3 =	vld [tilespmem:$0x30];
	_ =	sdelay $0x4  }
0x58: {  	v59 =	vshll.u32 v3, $0x3  }
0x59: {  	v3 =	vand.u32 $0x7, v3;
	v4 =	vand.u32 $0xFFFFFFC0, v59  }
0x5a: {  	v3 =	vor.u32 v3, v4  }
0x5b: {  	v4 =	vperm.xlane v3, v0;
	_ =	sdelay $0x1  }
0x5c: {  	v4 =	vadd.s32 v1, v4;
	_ =	sdelay $0x3  }
0x5d: {  	s20 =	simm.s32 $0xC100  }
0x5e: {  	[tilespmem:s20], [sflag:$0x1] =	stream.indirect_vreg.gather [hbm4b:s3+s2], $0x80, v4, vm0, $0xb8;
	[tilespmem:$0x10100] =	vst v63  }
0x5f: {  	v3 =	vperm.xlane v3, v2;
	s20 =	simm.s32 $0xC900  }
0x60: {  	[tilespmem:s20], [sflag:$0x1] =	stream.indirect_vreg.gather [hbm4b:s4+s2], $0x80, v4, vm0, $0xb8;
	[tilespmem:$0x10100] =	vst v63  }
0x61: {  	v3 =	vadd.s32 v1, v3;
	s20 =	simm.s32 $0xD100  }
0x62: {  	[tilespmem:s20], [sflag:$0x1] =	stream.indirect_vreg.gather [hbm4b:s6+s2], $0x80, v4, vm0, $0xb8;
	[tilespmem:$0x10100] =	vst v63  }
0x63: {  	s20 =	simm.s32 $0xD900  }
0x64: {  	[tilespmem:s20], [sflag:$0x1] =	stream.indirect_vreg.gather [hbm4b:s7+s2], $0x80, v4, vm0, $0xb8;
	[tilespmem:$0x10100] =	vst v63  }
0x65: {  	s20 =	simm.s32 $0xE100  }
0x66: {  	[tilespmem:s20], [sflag:$0x1] =	stream.indirect_vreg.gather [hbm4b:s3+s2], $0x80, v3, vm0, $0xb8;
	[tilespmem:$0x10100] =	vst v63  }
0x67: {  	s20 =	simm.s32 $0xE900  }
0x68: {  	[tilespmem:s20], [sflag:$0x1] =	stream.indirect_vreg.gather [hbm4b:s4+s2], $0x80, v3, vm0, $0xb8;
	[tilespmem:$0x10100] =	vst v63  }
0x69: {  	s20 =	simm.s32 $0xF100  }
0x6a: {  	[tilespmem:s20], [sflag:$0x1] =	stream.indirect_vreg.gather [hbm4b:s6+s2], $0x80, v3, vm0, $0xb8;
	[tilespmem:$0x10100] =	vst v63  }
0x6b: {  	s20 =	simm.s32 $0xF900  }
0x6c: {  	[tilespmem:s20], [sflag:$0x1] =	stream.indirect_vreg.gather [hbm4b:s7+s2], $0x80, v3, vm0, $0xb8;
	[tilespmem:$0x10100] =	vst v63  }
0x6d: {  	_ =	swait.ge [sflag:s19], $0x10000  }
0x6e: {  	[sflag:s19] =	ssyncset.done $0x0  }
0x6f: {  	s20 =	rddreg [dreg:$0x5];
	[sflag:s19] =	ssyncadd.s32 $0xFFFF0000  }
0x70: {  	[hbm4b:s20+s2] =	stream.linear.scatter [tilespmem:s0], [sflag:$0x2], $0x10000, $0x38;
	[tilespmem:$0x10100] =	vst v63  }
0x71: {  	_ =	swait.ge [sflag:s9], $0x10000  }
0x72: {  	[sflag:s9] =	ssyncset.done $0x0  }
0x73: {  	[sflag:s9] =	ssyncadd.s32 $0xFFFF0000  }
0x74: {  	v3 =	vld [tilespmem:$0x80];
	_ =	sdelay $0x4  }
0x75: {  	v60 =	vshll.u32 v3, $0x3  }
0x76: {  	v3 =	vand.u32 $0x7, v3;
	v4 =	vand.u32 $0xFFFFFFC0, v60  }
0x77: {  	v3 =	vor.u32 v3, v4  }
0x78: {  	v4 =	vperm.xlane v3, v0;
	_ =	sdelay $0x1  }
0x79: {  	v4 =	vadd.s32 v1, v4;
	_ =	sdelay $0x4  }
0x7a: {  	[tilespmem:s0], [sflag:$0x1] =	stream.indirect_vreg.gather [hbm4b:s3+s2], $0x80, v4, vm0, $0xb8;
	[tilespmem:$0x10100] =	vst v63  }
0x7b: {  	v3 =	vperm.xlane v3, v2  }
0x7c: {  	[tilespmem:s21], [sflag:$0x1] =	stream.indirect_vreg.gather [hbm4b:s4+s2], $0x80, v4, vm0, $0xb8;
	[tilespmem:$0x10100] =	vst v63  }
0x7d: {  	v3 =	vadd.s32 v1, v3  }
0x7e: {  	[tilespmem:s22], [sflag:$0x1] =	stream.indirect_vreg.gather [hbm4b:s6+s2], $0x80, v4, vm0, $0xb8;
	[tilespmem:$0x10100] =	vst v63  }
0x7f: {  	_ = 	snop  }
0x80: {  	[tilespmem:s23], [sflag:$0x1] =	stream.indirect_vreg.gather [hbm4b:s7+s2], $0x80, v4, vm0, $0xb8;
	[tilespmem:$0x10100] =	vst v63  }
0x81: {  	_ = 	snop  }
0x82: {  	[tilespmem:s24], [sflag:$0x1] =	stream.indirect_vreg.gather [hbm4b:s3+s2], $0x80, v3, vm0, $0xb8;
	[tilespmem:$0x10100] =	vst v63  }
0x83: {  	_ = 	snop  }
0x84: {  	[tilespmem:s25], [sflag:$0x1] =	stream.indirect_vreg.gather [hbm4b:s4+s2], $0x80, v3, vm0, $0xb8;
	[tilespmem:$0x10100] =	vst v63  }
0x85: {  	_ = 	snop  }
0x86: {  	[tilespmem:s26], [sflag:$0x1] =	stream.indirect_vreg.gather [hbm4b:s6+s2], $0x80, v3, vm0, $0xb8;
	[tilespmem:$0x10100] =	vst v63  }
0x87: {  	_ = 	snop  }
0x88: {  	[tilespmem:s28], [sflag:$0x1] =	stream.indirect_vreg.gather [hbm4b:s7+s2], $0x80, v3, vm0, $0xb8;
	[tilespmem:$0x10100] =	vst v63  }
0x89: {  	v3 =	vld [tilespmem:$0x90];
	_ =	sdelay $0x4  }
0x8a: {  	v61 =	vshll.u32 v3, $0x3  }
0x8b: {  	v3 =	vand.u32 $0x7, v3;
	v4 =	vand.u32 $0xFFFFFFC0, v61  }
0x8c: {  	v3 =	vor.u32 v3, v4  }
0x8d: {  	v4 =	vperm.xlane v3, v0;
	_ =	sdelay $0x1  }
0x8e: {  	v4 =	vadd.s32 v1, v4;
	_ =	sdelay $0x4  }
0x8f: {  	[tilespmem:s29], [sflag:$0x1] =	stream.indirect_vreg.gather [hbm4b:s3+s2], $0x80, v4, vm0, $0xb8;
	[tilespmem:$0x10100] =	vst v63  }
0x90: {  	v3 =	vperm.xlane v3, v2  }
0x91: {  	[tilespmem:s30], [sflag:$0x1] =	stream.indirect_vreg.gather [hbm4b:s4+s2], $0x80, v4, vm0, $0xb8;
	[tilespmem:$0x10100] =	vst v63  }
0x92: {  	v3 =	vadd.s32 v1, v3  }
0x93: {  	[tilespmem:s31], [sflag:$0x1] =	stream.indirect_vreg.gather [hbm4b:s6+s2], $0x80, v4, vm0, $0xb8;
	[tilespmem:$0x10100] =	vst v63  }
0x94: {  	s20 =	simm.s32 $0x5900  }
0x95: {  	[tilespmem:s20], [sflag:$0x1] =	stream.indirect_vreg.gather [hbm4b:s7+s2], $0x80, v4, vm0, $0xb8;
	[tilespmem:$0x10100] =	vst v63  }
0x96: {  	_ = 	snop  }
0x97: {  	[tilespmem:s1], [sflag:$0x1] =	stream.indirect_vreg.gather [hbm4b:s3+s2], $0x80, v3, vm0, $0xb8;
	[tilespmem:$0x10100] =	vst v63  }
0x98: {  	_ = 	snop  }
0x99: {  	[tilespmem:s11], [sflag:$0x1] =	stream.indirect_vreg.gather [hbm4b:s4+s2], $0x80, v3, vm0, $0xb8;
	[tilespmem:$0x10100] =	vst v63  }
0x9a: {  	_ = 	snop  }
0x9b: {  	[tilespmem:s12], [sflag:$0x1] =	stream.indirect_vreg.gather [hbm4b:s6+s2], $0x80, v3, vm0, $0xb8;
	[tilespmem:$0x10100] =	vst v63  }
0x9c: {  	_ = 	snop  }
0x9d: {  	[tilespmem:s13], [sflag:$0x1] =	stream.indirect_vreg.gather [hbm4b:s7+s2], $0x80, v3, vm0, $0xb8;
	[tilespmem:$0x10100] =	vst v63  }
0x9e: {  	v3 =	vld [tilespmem:$0xA0];
	_ =	sdelay $0x4  }
0x9f: {  	v62 =	vshll.u32 v3, $0x3  }
0xa0: {  	v3 =	vand.u32 $0x7, v3;
	v4 =	vand.u32 $0xFFFFFFC0, v62  }
0xa1: {  	v3 =	vor.u32 v3, v4  }
0xa2: {  	v4 =	vperm.xlane v3, v0;
	_ =	sdelay $0x1  }
0xa3: {  	v4 =	vadd.s32 v1, v4;
	_ =	sdelay $0x4  }
0xa4: {  	[tilespmem:s5], [sflag:$0x1] =	stream.indirect_vreg.gather [hbm4b:s3+s2], $0x80, v4, vm0, $0xb8;
	[tilespmem:$0x10100] =	vst v63  }
0xa5: {  	v3 =	vperm.xlane v3, v2  }
0xa6: {  	[tilespmem:s14], [sflag:$0x1] =	stream.indirect_vreg.gather [hbm4b:s4+s2], $0x80, v4, vm0, $0xb8;
	[tilespmem:$0x10100] =	vst v63  }
0xa7: {  	v3 =	vadd.s32 v1, v3  }
0xa8: {  	[tilespmem:s15], [sflag:$0x1] =	stream.indirect_vreg.gather [hbm4b:s6+s2], $0x80, v4, vm0, $0xb8;
	[tilespmem:$0x10100] =	vst v63  }
0xa9: {  	_ = 	snop  }
0xaa: {  	[tilespmem:s16], [sflag:$0x1] =	stream.indirect_vreg.gather [hbm4b:s7+s2], $0x80, v4, vm0, $0xb8;
	[tilespmem:$0x10100] =	vst v63  }
0xab: {  	_ = 	snop  }
0xac: {  	[tilespmem:s17], [sflag:$0x1] =	stream.indirect_vreg.gather [hbm4b:s3+s2], $0x80, v3, vm0, $0xb8;
	[tilespmem:$0x10100] =	vst v63  }
0xad: {  	_ = 	snop  }
0xae: {  	[tilespmem:s18], [sflag:$0x1] =	stream.indirect_vreg.gather [hbm4b:s4+s2], $0x80, v3, vm0, $0xb8;
	[tilespmem:$0x10100] =	vst v63  }
0xaf: {  	_ = 	snop  }
0xb0: {  	[tilespmem:s10], [sflag:$0x1] =	stream.indirect_vreg.gather [hbm4b:s6+s2], $0x80, v3, vm0, $0xb8;
	[tilespmem:$0x10100] =	vst v63  }
0xb1: {  	s20 =	simm.s32 $0xB900  }
0xb2: {  	[tilespmem:s20], [sflag:$0x1] =	stream.indirect_vreg.gather [hbm4b:s7+s2], $0x80, v3, vm0, $0xb8;
	[tilespmem:$0x10100] =	vst v63  }
0xb3: {  	v3 =	vld [tilespmem:$0xB0];
	_ =	sdelay $0x4  }
0xb4: {  	v63 =	vshll.u32 v3, $0x3  }
0xb5: {  	v3 =	vand.u32 $0x7, v3;
	v4 =	vand.u32 $0xFFFFFFC0, v63  }
0xb6: {  	v3 =	vor.u32 v3, v4  }
0xb7: {  	v4 =	vperm.xlane v3, v0;
	_ =	sdelay $0x1  }
0xb8: {  	v4 =	vadd.s32 v1, v4;
	_ =	sdelay $0x3  }
0xb9: {  	s20 =	simm.s32 $0xC100  }
0xba: {  	[tilespmem:s20], [sflag:$0x1] =	stream.indirect_vreg.gather [hbm4b:s3+s2], $0x80, v4, vm0, $0xb8;
	[tilespmem:$0x10100] =	vst v63  }
0xbb: {  	v3 =	vperm.xlane v3, v2;
	s20 =	simm.s32 $0xC900  }
0xbc: {  	[tilespmem:s20], [sflag:$0x1] =	stream.indirect_vreg.gather [hbm4b:s4+s2], $0x80, v4, vm0, $0xb8;
	[tilespmem:$0x10100] =	vst v63  }
0xbd: {  	v3 =	vadd.s32 v1, v3;
	s20 =	simm.s32 $0xD100  }
0xbe: {  	[tilespmem:s20], [sflag:$0x1] =	stream.indirect_vreg.gather [hbm4b:s6+s2], $0x80, v4, vm0, $0xb8;
	[tilespmem:$0x10100] =	vst v63  }
0xbf: {  	s20 =	simm.s32 $0xD900  }
0xc0: {  	[tilespmem:s20], [sflag:$0x1] =	stream.indirect_vreg.gather [hbm4b:s7+s2], $0x80, v4, vm0, $0xb8;
	[tilespmem:$0x10100] =	vst v63  }
0xc1: {  	s20 =	simm.s32 $0xE100  }
0xc2: {  	[tilespmem:s20], [sflag:$0x1] =	stream.indirect_vreg.gather [hbm4b:s3+s2], $0x80, v3, vm0, $0xb8;
	[tilespmem:$0x10100] =	vst v63  }
0xc3: {  	s20 =	simm.s32 $0xE900  }
0xc4: {  	[tilespmem:s20], [sflag:$0x1] =	stream.indirect_vreg.gather [hbm4b:s4+s2], $0x80, v3, vm0, $0xb8;
	[tilespmem:$0x10100] =	vst v63  }
0xc5: {  	s20 =	simm.s32 $0xF100  }
0xc6: {  	[tilespmem:s20], [sflag:$0x1] =	stream.indirect_vreg.gather [hbm4b:s6+s2], $0x80, v3, vm0, $0xb8;
	[tilespmem:$0x10100] =	vst v63  }
0xc7: {  	s20 =	simm.s32 $0xF900  }
0xc8: {  	[tilespmem:s20], [sflag:$0x1] =	stream.indirect_vreg.gather [hbm4b:s7+s2], $0x80, v3, vm0, $0xb8;
	[tilespmem:$0x10100] =	vst v63  }
0xc9: {  	_ =	swait.ge [sflag:s19], $0x10000  }
0xca: {  	p0 =	sne.s32 s8, $0x1;
	[sflag:s19] =	ssyncset.done $0x0  }
.Ltmp0:
0xcb: {  	s1 =	rddreg [dreg:$0x4];
	[sflag:s19] =	ssyncadd.s32 $0xFFFF0000;
	(pc) =	sbr.rel @p0 .LBB2_1-.Ltmp0, $4  }
0xcc: {  	[hbm4b:s1+s2] =	stream.linear.scatter [tilespmem:s0], [sflag:$0x2], $0x10000, $0x38;
	[tilespmem:$0x10100] =	vst v63  }
0xcd: {  	_ =	swait.ge [sflag:s9], $0x10000  }
0xce: {  	[sflag:s9] =	ssyncset.done $0x0  }
0xcf: {  	s8 =	sadd.s32 $0xFFFFFFFF, s8;
	[sflag:s9] =	ssyncadd.s32 $0xFFFF0000  }
0xd0: {  	_ =	sfence.sel $0x180000  }
0xd1: {  	[bflag:$0x0] =	sbarrier.arrive $0xFFFF  }
0xd2: {  	_ =	strace $0x9000004D  }
0xd3: {  	s0 =	stileid.u32;
	[bflag:$0x2] =	sbarrier.arrive $0xFFFF  }
0xd4: {  	p0 =	sne.s32 s0, $0x0;
	s0 =	rddreg [dreg:$0x2]  }
0xd5: {  	s0 =	sadd.s32 @!p0 $0x100000, s0  }
0xd6: {  	[sflag:s0] =	ssyncadd.tile.s32 @!p0 $0x1;
	_ =	shalt  }
.Lfunc_end2:
_tile_overlayer_lowered:
.L_overlay_start_2:
0xd7: {  	(tag) =	ssettag $0x2  }
0xd8: {  	s0 =	rddreg [dreg:$0x0];
	s2 =	stileid.u32  }
0xd9: {  	s1 =	rddreg [dreg:$0x1];
	p0 =	sne.s32 s2, $0x0  }
0xda: {  	s3 =	rddreg [dreg:$0x2];
	[bflag:$0x3] =	sbarrier.arrive $0xFFFF;
	s2 =	simm.s32 @!p0 $0x1C02  }
0xdb: {  	[timem:s3], [sflag:s2] =	dma.local @!p0 [hbm:s0], s1  }
0xdc: {  	s0 =	simm.s32 @!p0 $0x2  }
0xdd: {  	_ =	swait.ge @!p0 [sflag:s0], s1  }
0xde: {  	s1 =	ssub.s32 @!p0 $0x0, s1;
	[sflag:s0] =	ssyncset.done @!p0 $0x0  }
0xdf: {  	[sflag:s0] =	ssyncadd.s32 @!p0 s1  }
0xe0: {  	[bflag:$0x3] =	sbarrier.arrive $0xFFFF  }
0xe1: {  	_ =	shalt  }

</sc_bundles>
